<compile_context>
chip_gen: v7x
topology: tpu7x:2x2x1
jax: 0.10.2.dev20260603
libtpu: 0.0.44.dev20260713+nightly
codegen_flags: <defaults>
</compile_context>

<pallas_src>
import functools

import jax
import jax.numpy as jnp
from jax import lax
from jax.experimental import pallas as pl
from jax.experimental.pallas import tpu as pltpu
from jax.experimental.pallas import tpu_sc as plsc

N = 10000
D = 128
NP = 10240
NSC = 2
NTILE = 16
NW = NSC * NTILE
RPT = NP // NTILE
ZR = 320
BLK = 512
GRID = NP // BLK

def _mesh():
    return plsc.VectorSubcoreMesh(core_axis_name="c", subcore_axis_name="s")


SC0_FRAC = 0.384


def _chunks(E):
    ch0 = max(1, round(E * SC0_FRAC / (NTILE * 128)))
    ch1 = -(-(E - ch0 * NTILE * 128) // (NTILE * 128))
    return ch0, ch1


def _make_deg(CH0, CH1):
    CHM = max(CH0, CH1)

    @functools.partial(
        pl.kernel,
        mesh=_mesh(),
        out_type=jax.ShapeDtypeStruct((NSC, NP), jnp.float32),
        scratch_types=[
            pltpu.VMEM_SHARED((NP,), jnp.float32),
            pltpu.VMEM((CHM, 128), jnp.int32),
            pltpu.VMEM((128,), jnp.float32),
            pltpu.VMEM((RPT,), jnp.float32),
        ],
    )
    def deg_kernel(dst4, out, acc, dstv, onesv, zv):
        c = lax.axis_index("c")
        s = lax.axis_index("s")
        nch = jnp.where(c == 0, CH0, CH1)
        for k in range(8):
            onesv[pl.ds(k * 16, 16)] = jnp.ones((16,), jnp.float32)

        def zb(i, carry):
            zv[pl.ds(i * 16, 16)] = jnp.zeros((16,), jnp.float32)
            return carry

        lax.fori_loop(0, RPT // 16, zb, 0)
        pltpu.sync_copy(zv, acc.at[pl.ds(s * RPT, RPT)])
        pltpu.sync_copy(dst4.at[c].at[s], dstv)
        plsc.subcore_barrier()

        def body(j, carry):
            pltpu.sync_copy(onesv, acc.at[dstv.at[j]], add=True)
            return carry

        lax.fori_loop(0, nch, body, 0)
        plsc.subcore_barrier()
        pltpu.sync_copy(acc.at[pl.ds(s * RPT, RPT)], out.at[c].at[pl.ds(s * RPT, RPT)])

    return deg_kernel


def _make_prop(CH0, CH1):
    CHM = max(CH0, CH1)

    @functools.partial(
        pl.kernel,
        mesh=_mesh(),
        out_type=jax.ShapeDtypeStruct((NSC, NP, D), jnp.float32),
        scratch_types=[
            pltpu.VMEM_SHARED((NP, D), jnp.float32),
            pltpu.VMEM((CHM, 128), jnp.int32),
            pltpu.VMEM((CHM, 128), jnp.int32),
            pltpu.VMEM((128, D), jnp.float32),
            pltpu.SemaphoreType.DMA,
        ],
    )
    def prop_kernel(y, src4, dst4, out, acc, srcv, dstv, rows, sem):
        c = lax.axis_index("c")
        s = lax.axis_index("s")
        nch = jnp.where(c == 0, CH0, CH1)

        def zrow(i, carry):
            for k in range(D // 16):
                rows[i, pl.ds(k * 16, 16)] = jnp.zeros((16,), jnp.float32)
            return carry

        lax.fori_loop(0, 128, zrow, 0)
        base = s * RPT
        for t in range(RPT // 128):
            pltpu.sync_copy(rows, acc.at[pl.ds(base + t * 128, 128)])
        pltpu.sync_copy(src4.at[c].at[s], srcv)
        pltpu.sync_copy(dst4.at[c].at[s], dstv)
        plsc.subcore_barrier()

        def body(j, carry):
            pltpu.async_copy(y.at[srcv.at[j]], rows, sem).wait()
            pltpu.sync_copy(rows, acc.at[dstv.at[j]], add=True)
            return carry

        lax.fori_loop(0, nch, body, 0)
        plsc.subcore_barrier()
        pltpu.sync_copy(acc.at[pl.ds(base, RPT)], out.at[c].at[pl.ds(base, RPT)])

    return prop_kernel


def _mm1_body(xb, degb, w1, yout, dinvout):
    i = pl.program_id(0)
    t = jnp.dot(xb[...], w1[...], preferred_element_type=jnp.float32)
    degsum = degb[0, :] + degb[1, :] + 1.0
    rows = i * BLK + lax.broadcasted_iota(jnp.int32, (BLK,), 0)
    dinv = jnp.where(rows < N, lax.rsqrt(degsum), 0.0)
    yout[...] = t * dinv[:, None]
    dinvout[...] = dinv


def _mm1(xp, deg2, W1):
    return pl.pallas_call(
        _mm1_body,
        grid=(GRID,),
        in_specs=[
            pl.BlockSpec((BLK, D), lambda i: (i, 0)),
            pl.BlockSpec((NSC, BLK), lambda i: (0, i)),
            pl.BlockSpec((D, D), lambda i: (0, 0)),
        ],
        out_specs=[
            pl.BlockSpec((BLK, D), lambda i: (i, 0)),
            pl.BlockSpec((BLK,), lambda i: (i,)),
        ],
        out_shape=[
            jax.ShapeDtypeStruct((NP, D), jnp.float32),
            jax.ShapeDtypeStruct((NP,), jnp.float32),
        ],
    )(xp, deg2, W1)


def _mid_body(sb, y1b, dinvb, w2, b1, yout):
    dinv = dinvb[...]
    pre = (sb[0] + sb[1] + y1b[...]) * dinv[:, None] + b1[...]
    h = jnp.maximum(pre, 0.0)
    yout[...] = jnp.dot(h, w2[...], preferred_element_type=jnp.float32) * dinv[:, None]


def _mid(s1, y1p, dinvp, W2, b1):
    return pl.pallas_call(
        _mid_body,
        grid=(GRID,),
        in_specs=[
            pl.BlockSpec((NSC, BLK, D), lambda i: (0, i, 0)),
            pl.BlockSpec((BLK, D), lambda i: (i, 0)),
            pl.BlockSpec((BLK,), lambda i: (i,)),
            pl.BlockSpec((D, D), lambda i: (0, 0)),
            pl.BlockSpec((1, D), lambda i: (0, 0)),
        ],
        out_specs=pl.BlockSpec((BLK, D), lambda i: (i, 0)),
        out_shape=jax.ShapeDtypeStruct((NP, D), jnp.float32),
    )(s1, y1p, dinvp, W2, b1)


def _fin_body(sb, y2b, dinvb, b2, out):
    i = pl.program_id(0)
    v = (sb[0] + sb[1] + y2b[...]) * dinvb[...][:, None]
    part = jnp.sum(v, axis=0, keepdims=True) * (1.0 / N)

    @pl.when(i == 0)
    def _():
        out[...] = b2[...] + part

    @pl.when(i > 0)
    def _():
        out[...] = out[...] + part


def _fin(s2, y2p, dinvp, b2):
    return pl.pallas_call(
        _fin_body,
        grid=(GRID,),
        in_specs=[
            pl.BlockSpec((NSC, BLK, D), lambda i: (0, i, 0)),
            pl.BlockSpec((BLK, D), lambda i: (i, 0)),
            pl.BlockSpec((BLK,), lambda i: (i,)),
            pl.BlockSpec((1, D), lambda i: (0, 0)),
        ],
        out_specs=pl.BlockSpec((1, D), lambda i: (0, 0)),
        out_shape=jax.ShapeDtypeStruct((1, D), jnp.float32),
    )(s2, y2p, dinvp, b2)


def kernel(x, edge_index, W1, b1, W2, b2):
    E = edge_index.shape[1]
    CH0, CH1 = _chunks(E)
    CHM = max(CH0, CH1)
    L0 = NTILE * CH0 * 128
    L1 = NTILE * CH1 * 128
    EP = L0 + L1
    xp = jnp.zeros((NP, D), jnp.float32).at[:N].set(x)
    ei = edge_index
    if EP > E:
        ei = jnp.concatenate(
            [ei, jnp.full((2, EP - E), N, dtype=ei.dtype)], axis=1)
    e0 = ei[:, :L0].reshape(2, 1, NTILE, CH0, 128)
    e1 = ei[:, L0:].reshape(2, 1, NTILE, CH1, 128)
    e0 = jnp.pad(e0, ((0, 0), (0, 0), (0, 0), (0, CHM - CH0), (0, 0)),
                 constant_values=N)
    e1 = jnp.pad(e1, ((0, 0), (0, 0), (0, 0), (0, CHM - CH1), (0, 0)),
                 constant_values=N)
    e4 = jnp.concatenate([e0, e1], axis=1)
    src4, dst4 = e4[0], e4[1]

    deg2 = _make_deg(CH0, CH1)(dst4)
    y1p, dinvp = _mm1(xp, deg2, W1)
    prop = _make_prop(CH0, CH1)
    s1 = prop(y1p, src4, dst4)
    y2p = _mid(s1, y1p, dinvp, W2, b1.reshape(1, D))
    s2 = prop(y2p, src4, dst4)
    out = _fin(s2, y2p, dinvp, b2.reshape(1, D))
    return out.reshape(D)

# --- scband reference (transcript-rebuilt; emitter-appended) ---
"""Pipeline reference for scband-gnn-4595615007018 (READ-ONLY COPY).

The authoritative reference and input builder live on the scoring server;
editing this copy changes nothing except your own understanding.
"""

import jax, jax.numpy as jnp
import numpy as np

N, E, D, H = 10000, 320000, 128, 128

def setup_inputs(seed: int = 0):
    key = jax.random.key(seed)
    k1, k2, k3, k4, k5, k6 = jax.random.split(key, 6)
    x = jax.random.normal(k1, (N, D), dtype=jnp.float32)
    edge_index = jax.random.randint(k2, (2, E), 0, N, dtype=jnp.int32)
    W1 = jax.random.normal(k3, (D, H), dtype=jnp.float32) * (1.0 / np.sqrt(D))
    b1 = jnp.zeros((H,), dtype=jnp.float32)
    W2 = jax.random.normal(k4, (H, H), dtype=jnp.float32) * (1.0 / np.sqrt(H))
    b2 = jnp.zeros((H,), dtype=jnp.float32)
    return {"x": x, "edge_index": edge_index, "W1": W1, "b1": b1, "W2": W2, "b2": b2}

def gcn_conv(x, src, dst, norm, W, b):
    # x' = D^{-1/2} (A + I) D^{-1/2} X W + b  (PyG GCNConv with self-loops)
    h = x @ W
    msg = h[src] * norm[:, None]
    out = jnp.zeros((x.shape[0], W.shape[1]), dtype=x.dtype).at[dst].add(msg)
    return out + b

def reference(x, edge_index, W1, b1, W2, b2):
    n = x.shape[0]
    loop = jnp.arange(n, dtype=edge_index.dtype)
    src = jnp.concatenate([edge_index[0], loop])
    dst = jnp.concatenate([edge_index[1], loop])
    ones = jnp.ones(src.shape[0], dtype=jnp.float32)
    deg = jnp.zeros(n, dtype=jnp.float32).at[dst].add(ones)
    dinv = jnp.where(deg > 0, 1.0 / jnp.sqrt(deg), 0.0)
    norm = dinv[src] * dinv[dst]
    h = gcn_conv(x, src, dst, norm, W1, b1)
    h = jax.nn.relu(h)
    h = gcn_conv(h, src, dst, norm, W2, b2)
    return h.mean(axis=0)

if __name__ == "__main__":
    import jax
    _d = setup_inputs()
    print(jax.jit(kernel)(*tuple(_d.values())))

</pallas_src>

<mosaic_0001>
#map = affine_map<(d0, d1) -> (0, 0)>
#map1 = affine_map<(d0, d1) -> (0, 0, 0, 0)>
#map2 = affine_map<(d0, d1) -> (0, 0, 0)>
module attributes {stable_mosaic.version = 14 : i64} {
  func.func @prop_kernel(%arg0: i32, %arg1: i32, %arg2: memref<10240x128xf32, #tpu.memory_space<hbm>>, %arg3: memref<2x16x97x128xi32, #tpu.memory_space<hbm>>, %arg4: memref<2x16x97x128xi32, #tpu.memory_space<hbm>>, %arg5: memref<2x10240x128xf32, #tpu.memory_space<hbm>>, %arg6: memref<10240x128xf32, #tpu.memory_space<vmem_shared>>, %arg7: memref<97x128xi32, #tpu.memory_space<vmem>>, %arg8: memref<97x128xi32, #tpu.memory_space<vmem>>, %arg9: memref<128x128xf32, #tpu.memory_space<vmem>>, %arg10: memref<!tpu.dma_semaphore, #tpu.memory_space<semaphore_mem>>) attributes {dimension_semantics = [#tpu.dimension_semantics<core_parallel>, #tpu.dimension_semantics<subcore_parallel>], iteration_bounds = array<i64: 2, 16>, scalar_prefetch = 0 : i64, scratch_operands = 5 : i64, tpu.core_type = #tpu.core_type<sc_vector_subcore>, window_params = [{transform_indices = #map}, {transform_indices = #map1}, {transform_indices = #map1}, {transform_indices = #map2}]} {
    %eq3A = arith.constant 0 : i32
    %eq3A_0 = arith.cmpi eq, %arg0, %eq3A : i32
    %jit3A = arith.constant 60 : i32
    %jit3A_1 = arith.constant 97 : i32
    %select_n3A = arith.select %eq3A_0, %jit3A, %jit3A_1 : i32
    %scan3A = arith.constant 0 : i32
    %scan3A_2 = arith.constant 0 : i32
    %scan3A_3 = arith.constant 128 : i32
    %scan3A_4 = arith.addi %scan3A_2, %scan3A_3 : i32
    %scan3A_5 = arith.constant 1 : i32
    scf.for %scan3A_27 = %scan3A_2 to %scan3A_4 step %scan3A_5  : i32 {
      %broadcast_in_dim3A = arith.constant 0.000000e+00 : f32
      %broadcast_in_dim3A_28 = vector.broadcast %broadcast_in_dim3A : f32 to vector<16xf32>
      %swap3A = arith.index_cast %scan3A_27 : i32 to index
      %swap3A_29 = arith.constant 0 : index
      %swap3A_30 = tpu.vector_load %arg9[%swap3A, %swap3A_29] {strides = array<i32>} : memref<128x128xf32, #tpu.memory_space<vmem>>, vector<1x16xf32>,
      %swap3A_31 = vector.shape_cast %swap3A_30 : vector<1x16xf32> to vector<16xf32>
      %swap3A_32 = vector.shape_cast %broadcast_in_dim3A_28 : vector<16xf32> to vector<1x16xf32>
      tpu.vector_store %arg9[%swap3A, %swap3A_29], %swap3A_32 {strides = array<i32>} : memref<128x128xf32, #tpu.memory_space<vmem>>, vector<1x16xf32>,
      %broadcast_in_dim3A_33 = arith.constant 0.000000e+00 : f32
      %broadcast_in_dim3A_34 = vector.broadcast %broadcast_in_dim3A_33 : f32 to vector<16xf32>
      %swap3A_35 = arith.index_cast %scan3A_27 : i32 to index
      %swap3A_36 = arith.constant 16 : index
      %swap3A_37 = tpu.vector_load %arg9[%swap3A_35, %swap3A_36] {strides = array<i32>} : memref<128x128xf32, #tpu.memory_space<vmem>>, vector<1x16xf32>,
      %swap3A_38 = vector.shape_cast %swap3A_37 : vector<1x16xf32> to vector<16xf32>
      %swap3A_39 = vector.shape_cast %broadcast_in_dim3A_34 : vector<16xf32> to vector<1x16xf32>
      tpu.vector_store %arg9[%swap3A_35, %swap3A_36], %swap3A_39 {strides = array<i32>} : memref<128x128xf32, #tpu.memory_space<vmem>>, vector<1x16xf32>,
      %broadcast_in_dim3A_40 = arith.constant 0.000000e+00 : f32
      %broadcast_in_dim3A_41 = vector.broadcast %broadcast_in_dim3A_40 : f32 to vector<16xf32>
      %swap3A_42 = arith.index_cast %scan3A_27 : i32 to index
      %swap3A_43 = arith.constant 32 : index
      %swap3A_44 = tpu.vector_load %arg9[%swap3A_42, %swap3A_43] {strides = array<i32>} : memref<128x128xf32, #tpu.memory_space<vmem>>, vector<1x16xf32>,
      %swap3A_45 = vector.shape_cast %swap3A_44 : vector<1x16xf32> to vector<16xf32>
      %swap3A_46 = vector.shape_cast %broadcast_in_dim3A_41 : vector<16xf32> to vector<1x16xf32>
      tpu.vector_store %arg9[%swap3A_42, %swap3A_43], %swap3A_46 {strides = array<i32>} : memref<128x128xf32, #tpu.memory_space<vmem>>, vector<1x16xf32>,
      %broadcast_in_dim3A_47 = arith.constant 0.000000e+00 : f32
      %broadcast_in_dim3A_48 = vector.broadcast %broadcast_in_dim3A_47 : f32 to vector<16xf32>
      %swap3A_49 = arith.index_cast %scan3A_27 : i32 to index
      %swap3A_50 = arith.constant 48 : index
      %swap3A_51 = tpu.vector_load %arg9[%swap3A_49, %swap3A_50] {strides = array<i32>} : memref<128x128xf32, #tpu.memory_space<vmem>>, vector<1x16xf32>,
      %swap3A_52 = vector.shape_cast %swap3A_51 : vector<1x16xf32> to vector<16xf32>
      %swap3A_53 = vector.shape_cast %broadcast_in_dim3A_48 : vector<16xf32> to vector<1x16xf32>
      tpu.vector_store %arg9[%swap3A_49, %swap3A_50], %swap3A_53 {strides = array<i32>} : memref<128x128xf32, #tpu.memory_space<vmem>>, vector<1x16xf32>,
      %broadcast_in_dim3A_54 = arith.constant 0.000000e+00 : f32
      %broadcast_in_dim3A_55 = vector.broadcast %broadcast_in_dim3A_54 : f32 to vector<16xf32>
      %swap3A_56 = arith.index_cast %scan3A_27 : i32 to index
      %swap3A_57 = arith.constant 64 : index
      %swap3A_58 = tpu.vector_load %arg9[%swap3A_56, %swap3A_57] {strides = array<i32>} : memref<128x128xf32, #tpu.memory_space<vmem>>, vector<1x16xf32>,
      %swap3A_59 = vector.shape_cast %swap3A_58 : vector<1x16xf32> to vector<16xf32>
      %swap3A_60 = vector.shape_cast %broadcast_in_dim3A_55 : vector<16xf32> to vector<1x16xf32>
      tpu.vector_store %arg9[%swap3A_56, %swap3A_57], %swap3A_60 {strides = array<i32>} : memref<128x128xf32, #tpu.memory_space<vmem>>, vector<1x16xf32>,
      %broadcast_in_dim3A_61 = arith.constant 0.000000e+00 : f32
      %broadcast_in_dim3A_62 = vector.broadcast %broadcast_in_dim3A_61 : f32 to vector<16xf32>
      %swap3A_63 = arith.index_cast %scan3A_27 : i32 to index
      %swap3A_64 = arith.constant 80 : index
      %swap3A_65 = tpu.vector_load %arg9[%swap3A_63, %swap3A_64] {strides = array<i32>} : memref<128x128xf32, #tpu.memory_space<vmem>>, vector<1x16xf32>,
      %swap3A_66 = vector.shape_cast %swap3A_65 : vector<1x16xf32> to vector<16xf32>
      %swap3A_67 = vector.shape_cast %broadcast_in_dim3A_62 : vector<16xf32> to vector<1x16xf32>
      tpu.vector_store %arg9[%swap3A_63, %swap3A_64], %swap3A_67 {strides = array<i32>} : memref<128x128xf32, #tpu.memory_space<vmem>>, vector<1x16xf32>,
      %broadcast_in_dim3A_68 = arith.constant 0.000000e+00 : f32
      %broadcast_in_dim3A_69 = vector.broadcast %broadcast_in_dim3A_68 : f32 to vector<16xf32>
      %swap3A_70 = arith.index_cast %scan3A_27 : i32 to index
      %swap3A_71 = arith.constant 96 : index
      %swap3A_72 = tpu.vector_load %arg9[%swap3A_70, %swap3A_71] {strides = array<i32>} : memref<128x128xf32, #tpu.memory_space<vmem>>, vector<1x16xf32>,
      %swap3A_73 = vector.shape_cast %swap3A_72 : vector<1x16xf32> to vector<16xf32>
      %swap3A_74 = vector.shape_cast %broadcast_in_dim3A_69 : vector<16xf32> to vector<1x16xf32>
      tpu.vector_store %arg9[%swap3A_70, %swap3A_71], %swap3A_74 {strides = array<i32>} : memref<128x128xf32, #tpu.memory_space<vmem>>, vector<1x16xf32>,
      %broadcast_in_dim3A_75 = arith.constant 0.000000e+00 : f32
      %broadcast_in_dim3A_76 = vector.broadcast %broadcast_in_dim3A_75 : f32 to vector<16xf32>
      %swap3A_77 = arith.index_cast %scan3A_27 : i32 to index
      %swap3A_78 = arith.constant 112 : index
      %swap3A_79 = tpu.vector_load %arg9[%swap3A_77, %swap3A_78] {strides = array<i32>} : memref<128x128xf32, #tpu.memory_space<vmem>>, vector<1x16xf32>,
      %swap3A_80 = vector.shape_cast %swap3A_79 : vector<1x16xf32> to vector<16xf32>
      %swap3A_81 = vector.shape_cast %broadcast_in_dim3A_76 : vector<16xf32> to vector<1x16xf32>
      tpu.vector_store %arg9[%swap3A_77, %swap3A_78], %swap3A_81 {strides = array<i32>} : memref<128x128xf32, #tpu.memory_space<vmem>>, vector<1x16xf32>,
    }
    %scan3A_6 = arith.constant 128 : i32
    %mul3A = arith.constant 640 : i32
    %mul3A_7 = arith.muli %arg1, %mul3A : i32
    %add3A = arith.constant 0 : i32
    %add3A_8 = arith.addi %mul3A_7, %add3A : i32
    "tpu.region"() ({
      %run_scoped3A = tpu.sem_alloc : memref<!tpu.dma_semaphore, #tpu.memory_space<semaphore_mem>>
      %dma_start3A = arith.constant 0 : i32
      %dma_start3A_27 = tpu.memref_slice %arg6[%add3A_8, %dma_start3A] : memref<10240x128xf32, #tpu.memory_space<vmem_shared>> -> memref<128x128xf32, #tpu.memory_space<vmem_shared>>
      %dma_start3A_28 = arith.constant 0 : i32
      %dma_start3A_29 = tpu.memref_slice %arg6[%add3A_8, %dma_start3A_28] : memref<10240x128xf32, #tpu.memory_space<vmem_shared>> -> memref<128x128xf32, #tpu.memory_space<vmem_shared>>
      tpu.enqueue_dma source(%arg9 : memref<128x128xf32, #tpu.memory_space<vmem>>) target(%dma_start3A_29 : memref<128x128xf32, #tpu.memory_space<vmem_shared>>) target_semaphore(%run_scoped3A : memref<!tpu.dma_semaphore, #tpu.memory_space<semaphore_mem>>)
      %dma_wait3A = arith.constant 0 : i32
      %dma_wait3A_30 = tpu.memref_slice %arg6[%add3A_8, %dma_wait3A] : memref<10240x128xf32, #tpu.memory_space<vmem_shared>> -> memref<128x128xf32, #tpu.memory_space<vmem_shared>>
      %dma_wait3A_31 = arith.constant 0 : i32
      %dma_wait3A_32 = tpu.memref_slice %arg6[%add3A_8, %dma_wait3A_31] : memref<10240x128xf32, #tpu.memory_space<vmem_shared>> -> memref<128x128xf32, #tpu.memory_space<vmem_shared>>
      tpu.wait_dma2 semaphore(%run_scoped3A : memref<!tpu.dma_semaphore, #tpu.memory_space<semaphore_mem>>) src(%arg9 : memref<128x128xf32, #tpu.memory_space<vmem>>) dst(%dma_wait3A_32 : memref<128x128xf32, #tpu.memory_space<vmem_shared>>)
      tpu.yield
    }) : () -> ()
    %add3A_9 = arith.constant 128 : i32
    %add3A_10 = arith.addi %mul3A_7, %add3A_9 : i32
    "tpu.region"() ({
      %run_scoped3A = tpu.sem_alloc : memref<!tpu.dma_semaphore, #tpu.memory_space<semaphore_mem>>
      %dma_start3A = arith.constant 0 : i32
      %dma_start3A_27 = tpu.memref_slice %arg6[%add3A_10, %dma_start3A] : memref<10240x128xf32, #tpu.memory_space<vmem_shared>> -> memref<128x128xf32, #tpu.memory_space<vmem_shared>>
      %dma_start3A_28 = arith.constant 0 : i32
      %dma_start3A_29 = tpu.memref_slice %arg6[%add3A_10, %dma_start3A_28] : memref<10240x128xf32, #tpu.memory_space<vmem_shared>> -> memref<128x128xf32, #tpu.memory_space<vmem_shared>>
      tpu.enqueue_dma source(%arg9 : memref<128x128xf32, #tpu.memory_space<vmem>>) target(%dma_start3A_29 : memref<128x128xf32, #tpu.memory_space<vmem_shared>>) target_semaphore(%run_scoped3A : memref<!tpu.dma_semaphore, #tpu.memory_space<semaphore_mem>>)
      %dma_wait3A = arith.constant 0 : i32
      %dma_wait3A_30 = tpu.memref_slice %arg6[%add3A_10, %dma_wait3A] : memref<10240x128xf32, #tpu.memory_space<vmem_shared>> -> memref<128x128xf32, #tpu.memory_space<vmem_shared>>
      %dma_wait3A_31 = arith.constant 0 : i32
      %dma_wait3A_32 = tpu.memref_slice %arg6[%add3A_10, %dma_wait3A_31] : memref<10240x128xf32, #tpu.memory_space<vmem_shared>> -> memref<128x128xf32, #tpu.memory_space<vmem_shared>>
      tpu.wait_dma2 semaphore(%run_scoped3A : memref<!tpu.dma_semaphore, #tpu.memory_space<semaphore_mem>>) src(%arg9 : memref<128x128xf32, #tpu.memory_space<vmem>>) dst(%dma_wait3A_32 : memref<128x128xf32, #tpu.memory_space<vmem_shared>>)
      tpu.yield
    }) : () -> ()
    %add3A_11 = arith.constant 256 : i32
    %add3A_12 = arith.addi %mul3A_7, %add3A_11 : i32
    "tpu.region"() ({
      %run_scoped3A = tpu.sem_alloc : memref<!tpu.dma_semaphore, #tpu.memory_space<semaphore_mem>>
      %dma_start3A = arith.constant 0 : i32
      %dma_start3A_27 = tpu.memref_slice %arg6[%add3A_12, %dma_start3A] : memref<10240x128xf32, #tpu.memory_space<vmem_shared>> -> memref<128x128xf32, #tpu.memory_space<vmem_shared>>
      %dma_start3A_28 = arith.constant 0 : i32
      %dma_start3A_29 = tpu.memref_slice %arg6[%add3A_12, %dma_start3A_28] : memref<10240x128xf32, #tpu.memory_space<vmem_shared>> -> memref<128x128xf32, #tpu.memory_space<vmem_shared>>
      tpu.enqueue_dma source(%arg9 : memref<128x128xf32, #tpu.memory_space<vmem>>) target(%dma_start3A_29 : memref<128x128xf32, #tpu.memory_space<vmem_shared>>) target_semaphore(%run_scoped3A : memref<!tpu.dma_semaphore, #tpu.memory_space<semaphore_mem>>)
      %dma_wait3A = arith.constant 0 : i32
      %dma_wait3A_30 = tpu.memref_slice %arg6[%add3A_12, %dma_wait3A] : memref<10240x128xf32, #tpu.memory_space<vmem_shared>> -> memref<128x128xf32, #tpu.memory_space<vmem_shared>>
      %dma_wait3A_31 = arith.constant 0 : i32
      %dma_wait3A_32 = tpu.memref_slice %arg6[%add3A_12, %dma_wait3A_31] : memref<10240x128xf32, #tpu.memory_space<vmem_shared>> -> memref<128x128xf32, #tpu.memory_space<vmem_shared>>
      tpu.wait_dma2 semaphore(%run_scoped3A : memref<!tpu.dma_semaphore, #tpu.memory_space<semaphore_mem>>) src(%arg9 : memref<128x128xf32, #tpu.memory_space<vmem>>) dst(%dma_wait3A_32 : memref<128x128xf32, #tpu.memory_space<vmem_shared>>)
      tpu.yield
    }) : () -> ()
    %add3A_13 = arith.constant 384 : i32
    %add3A_14 = arith.addi %mul3A_7, %add3A_13 : i32
    "tpu.region"() ({
      %run_scoped3A = tpu.sem_alloc : memref<!tpu.dma_semaphore, #tpu.memory_space<semaphore_mem>>
      %dma_start3A = arith.constant 0 : i32
      %dma_start3A_27 = tpu.memref_slice %arg6[%add3A_14, %dma_start3A] : memref<10240x128xf32, #tpu.memory_space<vmem_shared>> -> memref<128x128xf32, #tpu.memory_space<vmem_shared>>
      %dma_start3A_28 = arith.constant 0 : i32
      %dma_start3A_29 = tpu.memref_slice %arg6[%add3A_14, %dma_start3A_28] : memref<10240x128xf32, #tpu.memory_space<vmem_shared>> -> memref<128x128xf32, #tpu.memory_space<vmem_shared>>
      tpu.enqueue_dma source(%arg9 : memref<128x128xf32, #tpu.memory_space<vmem>>) target(%dma_start3A_29 : memref<128x128xf32, #tpu.memory_space<vmem_shared>>) target_semaphore(%run_scoped3A : memref<!tpu.dma_semaphore, #tpu.memory_space<semaphore_mem>>)
      %dma_wait3A = arith.constant 0 : i32
      %dma_wait3A_30 = tpu.memref_slice %arg6[%add3A_14, %dma_wait3A] : memref<10240x128xf32, #tpu.memory_space<vmem_shared>> -> memref<128x128xf32, #tpu.memory_space<vmem_shared>>
      %dma_wait3A_31 = arith.constant 0 : i32
      %dma_wait3A_32 = tpu.memref_slice %arg6[%add3A_14, %dma_wait3A_31] : memref<10240x128xf32, #tpu.memory_space<vmem_shared>> -> memref<128x128xf32, #tpu.memory_space<vmem_shared>>
      tpu.wait_dma2 semaphore(%run_scoped3A : memref<!tpu.dma_semaphore, #tpu.memory_space<semaphore_mem>>) src(%arg9 : memref<128x128xf32, #tpu.memory_space<vmem>>) dst(%dma_wait3A_32 : memref<128x128xf32, #tpu.memory_space<vmem_shared>>)
      tpu.yield
    }) : () -> ()
    %add3A_15 = arith.constant 512 : i32
    %add3A_16 = arith.addi %mul3A_7, %add3A_15 : i32
    "tpu.region"() ({
      %run_scoped3A = tpu.sem_alloc : memref<!tpu.dma_semaphore, #tpu.memory_space<semaphore_mem>>
      %dma_start3A = arith.constant 0 : i32
      %dma_start3A_27 = tpu.memref_slice %arg6[%add3A_16, %dma_start3A] : memref<10240x128xf32, #tpu.memory_space<vmem_shared>> -> memref<128x128xf32, #tpu.memory_space<vmem_shared>>
      %dma_start3A_28 = arith.constant 0 : i32
      %dma_start3A_29 = tpu.memref_slice %arg6[%add3A_16, %dma_start3A_28] : memref<10240x128xf32, #tpu.memory_space<vmem_shared>> -> memref<128x128xf32, #tpu.memory_space<vmem_shared>>
      tpu.enqueue_dma source(%arg9 : memref<128x128xf32, #tpu.memory_space<vmem>>) target(%dma_start3A_29 : memref<128x128xf32, #tpu.memory_space<vmem_shared>>) target_semaphore(%run_scoped3A : memref<!tpu.dma_semaphore, #tpu.memory_space<semaphore_mem>>)
      %dma_wait3A = arith.constant 0 : i32
      %dma_wait3A_30 = tpu.memref_slice %arg6[%add3A_16, %dma_wait3A] : memref<10240x128xf32, #tpu.memory_space<vmem_shared>> -> memref<128x128xf32, #tpu.memory_space<vmem_shared>>
      %dma_wait3A_31 = arith.constant 0 : i32
      %dma_wait3A_32 = tpu.memref_slice %arg6[%add3A_16, %dma_wait3A_31] : memref<10240x128xf32, #tpu.memory_space<vmem_shared>> -> memref<128x128xf32, #tpu.memory_space<vmem_shared>>
      tpu.wait_dma2 semaphore(%run_scoped3A : memref<!tpu.dma_semaphore, #tpu.memory_space<semaphore_mem>>) src(%arg9 : memref<128x128xf32, #tpu.memory_space<vmem>>) dst(%dma_wait3A_32 : memref<128x128xf32, #tpu.memory_space<vmem_shared>>)
      tpu.yield
    }) : () -> ()
    "tpu.region"() ({
      %run_scoped3A = tpu.sem_alloc : memref<!tpu.dma_semaphore, #tpu.memory_space<semaphore_mem>>
      %dma_start3A = arith.constant 0 : i32
      %dma_start3A_27 = arith.constant 0 : i32
      %dma_start3A_28 = arith.constant 0 : i32
      %dma_start3A_29 = tpu.memref_slice %arg3[%arg0, %dma_start3A, %dma_start3A_27, %dma_start3A_28] : memref<2x16x97x128xi32, #tpu.memory_space<hbm>> -> memref<1x16x97x128xi32, #tpu.memory_space<hbm>>
      %dma_start3A_30 = tpu.memref_squeeze %dma_start3A_29 : memref<1x16x97x128xi32, #tpu.memory_space<hbm>> -> memref<16x97x128xi32, #tpu.memory_space<hbm>>
      %dma_start3A_31 = arith.constant 0 : i32
      %dma_start3A_32 = arith.constant 0 : i32
      %dma_start3A_33 = tpu.memref_slice %dma_start3A_30[%arg1, %dma_start3A_31, %dma_start3A_32] : memref<16x97x128xi32, #tpu.memory_space<hbm>> -> memref<1x97x128xi32, #tpu.memory_space<hbm>>
      %dma_start3A_34 = tpu.memref_squeeze %dma_start3A_33 : memref<1x97x128xi32, #tpu.memory_space<hbm>> -> memref<97x128xi32, #tpu.memory_space<hbm>>
      %dma_start3A_35 = arith.constant 0 : i32
      %dma_start3A_36 = arith.constant 0 : i32
      %dma_start3A_37 = arith.constant 0 : i32
      %dma_start3A_38 = tpu.memref_slice %arg3[%arg0, %dma_start3A_35, %dma_start3A_36, %dma_start3A_37] : memref<2x16x97x128xi32, #tpu.memory_space<hbm>> -> memref<1x16x97x128xi32, #tpu.memory_space<hbm>>
      %dma_start3A_39 = tpu.memref_squeeze %dma_start3A_38 : memref<1x16x97x128xi32, #tpu.memory_space<hbm>> -> memref<16x97x128xi32, #tpu.memory_space<hbm>>
      %dma_start3A_40 = arith.constant 0 : i32
      %dma_start3A_41 = arith.constant 0 : i32
      %dma_start3A_42 = tpu.memref_slice %dma_start3A_39[%arg1, %dma_start3A_40, %dma_start3A_41] : memref<16x97x128xi32, #tpu.memory_space<hbm>> -> memref<1x97x128xi32, #tpu.memory_space<hbm>>
      %dma_start3A_43 = tpu.memref_squeeze %dma_start3A_42 : memref<1x97x128xi32, #tpu.memory_space<hbm>> -> memref<97x128xi32, #tpu.memory_space<hbm>>
      tpu.enqueue_dma source(%dma_start3A_43 : memref<97x128xi32, #tpu.memory_space<hbm>>) target(%arg7 : memref<97x128xi32, #tpu.memory_space<vmem>>) target_semaphore(%run_scoped3A : memref<!tpu.dma_semaphore, #tpu.memory_space<semaphore_mem>>)
      %dma_wait3A = arith.constant 0 : i32
      %dma_wait3A_44 = arith.constant 0 : i32
      %dma_wait3A_45 = arith.constant 0 : i32
      %dma_wait3A_46 = tpu.memref_slice %arg3[%arg0, %dma_wait3A, %dma_wait3A_44, %dma_wait3A_45] : memref<2x16x97x128xi32, #tpu.memory_space<hbm>> -> memref<1x16x97x128xi32, #tpu.memory_space<hbm>>
      %dma_wait3A_47 = tpu.memref_squeeze %dma_wait3A_46 : memref<1x16x97x128xi32, #tpu.memory_space<hbm>> -> memref<16x97x128xi32, #tpu.memory_space<hbm>>
      %dma_wait3A_48 = arith.constant 0 : i32
      %dma_wait3A_49 = arith.constant 0 : i32
      %dma_wait3A_50 = tpu.memref_slice %dma_wait3A_47[%arg1, %dma_wait3A_48, %dma_wait3A_49] : memref<16x97x128xi32, #tpu.memory_space<hbm>> -> memref<1x97x128xi32, #tpu.memory_space<hbm>>
      %dma_wait3A_51 = tpu.memref_squeeze %dma_wait3A_50 : memref<1x97x128xi32, #tpu.memory_space<hbm>> -> memref<97x128xi32, #tpu.memory_space<hbm>>
      %dma_wait3A_52 = arith.constant 0 : i32
      %dma_wait3A_53 = arith.constant 0 : i32
      %dma_wait3A_54 = arith.constant 0 : i32
      %dma_wait3A_55 = tpu.memref_slice %arg3[%arg0, %dma_wait3A_52, %dma_wait3A_53, %dma_wait3A_54] : memref<2x16x97x128xi32, #tpu.memory_space<hbm>> -> memref<1x16x97x128xi32, #tpu.memory_space<hbm>>
      %dma_wait3A_56 = tpu.memref_squeeze %dma_wait3A_55 : memref<1x16x97x128xi32, #tpu.memory_space<hbm>> -> memref<16x97x128xi32, #tpu.memory_space<hbm>>
      %dma_wait3A_57 = arith.constant 0 : i32
      %dma_wait3A_58 = arith.constant 0 : i32
      %dma_wait3A_59 = tpu.memref_slice %dma_wait3A_56[%arg1, %dma_wait3A_57, %dma_wait3A_58] : memref<16x97x128xi32, #tpu.memory_space<hbm>> -> memref<1x97x128xi32, #tpu.memory_space<hbm>>
      %dma_wait3A_60 = tpu.memref_squeeze %dma_wait3A_59 : memref<1x97x128xi32, #tpu.memory_space<hbm>> -> memref<97x128xi32, #tpu.memory_space<hbm>>
      tpu.wait_dma2 semaphore(%run_scoped3A : memref<!tpu.dma_semaphore, #tpu.memory_space<semaphore_mem>>) src(%dma_wait3A_60 : memref<97x128xi32, #tpu.memory_space<hbm>>) dst(%arg7 : memref<97x128xi32, #tpu.memory_space<vmem>>)
      tpu.yield
    }) : () -> ()
    "tpu.region"() ({
      %run_scoped3A = tpu.sem_alloc : memref<!tpu.dma_semaphore, #tpu.memory_space<semaphore_mem>>
      %dma_start3A = arith.constant 0 : i32
      %dma_start3A_27 = arith.constant 0 : i32
      %dma_start3A_28 = arith.constant 0 : i32
      %dma_start3A_29 = tpu.memref_slice %arg4[%arg0, %dma_start3A, %dma_start3A_27, %dma_start3A_28] : memref<2x16x97x128xi32, #tpu.memory_space<hbm>> -> memref<1x16x97x128xi32, #tpu.memory_space<hbm>>
      %dma_start3A_30 = tpu.memref_squeeze %dma_start3A_29 : memref<1x16x97x128xi32, #tpu.memory_space<hbm>> -> memref<16x97x128xi32, #tpu.memory_space<hbm>>
      %dma_start3A_31 = arith.constant 0 : i32
      %dma_start3A_32 = arith.constant 0 : i32
      %dma_start3A_33 = tpu.memref_slice %dma_start3A_30[%arg1, %dma_start3A_31, %dma_start3A_32] : memref<16x97x128xi32, #tpu.memory_space<hbm>> -> memref<1x97x128xi32, #tpu.memory_space<hbm>>
      %dma_start3A_34 = tpu.memref_squeeze %dma_start3A_33 : memref<1x97x128xi32, #tpu.memory_space<hbm>> -> memref<97x128xi32, #tpu.memory_space<hbm>>
      %dma_start3A_35 = arith.constant 0 : i32
      %dma_start3A_36 = arith.constant 0 : i32
      %dma_start3A_37 = arith.constant 0 : i32
      %dma_start3A_38 = tpu.memref_slice %arg4[%arg0, %dma_start3A_35, %dma_start3A_36, %dma_start3A_37] : memref<2x16x97x128xi32, #tpu.memory_space<hbm>> -> memref<1x16x97x128xi32, #tpu.memory_space<hbm>>
      %dma_start3A_39 = tpu.memref_squeeze %dma_start3A_38 : memref<1x16x97x128xi32, #tpu.memory_space<hbm>> -> memref<16x97x128xi32, #tpu.memory_space<hbm>>
      %dma_start3A_40 = arith.constant 0 : i32
      %dma_start3A_41 = arith.constant 0 : i32
      %dma_start3A_42 = tpu.memref_slice %dma_start3A_39[%arg1, %dma_start3A_40, %dma_start3A_41] : memref<16x97x128xi32, #tpu.memory_space<hbm>> -> memref<1x97x128xi32, #tpu.memory_space<hbm>>
      %dma_start3A_43 = tpu.memref_squeeze %dma_start3A_42 : memref<1x97x128xi32, #tpu.memory_space<hbm>> -> memref<97x128xi32, #tpu.memory_space<hbm>>
      tpu.enqueue_dma source(%dma_start3A_43 : memref<97x128xi32, #tpu.memory_space<hbm>>) target(%arg8 : memref<97x128xi32, #tpu.memory_space<vmem>>) target_semaphore(%run_scoped3A : memref<!tpu.dma_semaphore, #tpu.memory_space<semaphore_mem>>)
      %dma_wait3A = arith.constant 0 : i32
      %dma_wait3A_44 = arith.constant 0 : i32
      %dma_wait3A_45 = arith.constant 0 : i32
      %dma_wait3A_46 = tpu.memref_slice %arg4[%arg0, %dma_wait3A, %dma_wait3A_44, %dma_wait3A_45] : memref<2x16x97x128xi32, #tpu.memory_space<hbm>> -> memref<1x16x97x128xi32, #tpu.memory_space<hbm>>
      %dma_wait3A_47 = tpu.memref_squeeze %dma_wait3A_46 : memref<1x16x97x128xi32, #tpu.memory_space<hbm>> -> memref<16x97x128xi32, #tpu.memory_space<hbm>>
      %dma_wait3A_48 = arith.constant 0 : i32
      %dma_wait3A_49 = arith.constant 0 : i32
      %dma_wait3A_50 = tpu.memref_slice %dma_wait3A_47[%arg1, %dma_wait3A_48, %dma_wait3A_49] : memref<16x97x128xi32, #tpu.memory_space<hbm>> -> memref<1x97x128xi32, #tpu.memory_space<hbm>>
      %dma_wait3A_51 = tpu.memref_squeeze %dma_wait3A_50 : memref<1x97x128xi32, #tpu.memory_space<hbm>> -> memref<97x128xi32, #tpu.memory_space<hbm>>
      %dma_wait3A_52 = arith.constant 0 : i32
      %dma_wait3A_53 = arith.constant 0 : i32
      %dma_wait3A_54 = arith.constant 0 : i32
      %dma_wait3A_55 = tpu.memref_slice %arg4[%arg0, %dma_wait3A_52, %dma_wait3A_53, %dma_wait3A_54] : memref<2x16x97x128xi32, #tpu.memory_space<hbm>> -> memref<1x16x97x128xi32, #tpu.memory_space<hbm>>
      %dma_wait3A_56 = tpu.memref_squeeze %dma_wait3A_55 : memref<1x16x97x128xi32, #tpu.memory_space<hbm>> -> memref<16x97x128xi32, #tpu.memory_space<hbm>>
      %dma_wait3A_57 = arith.constant 0 : i32
      %dma_wait3A_58 = arith.constant 0 : i32
      %dma_wait3A_59 = tpu.memref_slice %dma_wait3A_56[%arg1, %dma_wait3A_57, %dma_wait3A_58] : memref<16x97x128xi32, #tpu.memory_space<hbm>> -> memref<1x97x128xi32, #tpu.memory_space<hbm>>
      %dma_wait3A_60 = tpu.memref_squeeze %dma_wait3A_59 : memref<1x97x128xi32, #tpu.memory_space<hbm>> -> memref<97x128xi32, #tpu.memory_space<hbm>>
      tpu.wait_dma2 semaphore(%run_scoped3A : memref<!tpu.dma_semaphore, #tpu.memory_space<semaphore_mem>>) src(%dma_wait3A_60 : memref<97x128xi32, #tpu.memory_space<hbm>>) dst(%arg8 : memref<97x128xi32, #tpu.memory_space<vmem>>)
      tpu.yield
    }) : () -> ()
    %barrier3A = arith.constant 0 : index
    tpu.barrier barrier_id(%barrier3A)
    %while3A = arith.constant 0 : i32
    %while3A_17 = arith.constant 0 : i32
    %while3A_18 = arith.subi %select_n3A, %while3A_17 : i32
    %while3A_19 = arith.addi %while3A_17, %while3A_18 : i32
    %while3A_20 = arith.constant 1 : i32
    %while3A_21 = arith.divsi %while3A_18, %while3A_20 : i32
    %while3A_22 = arith.muli %while3A_21, %while3A_20 : i32
    %while3A_23 = arith.addi %while3A_17, %while3A_22 : i32
    %while3A_24 = arith.constant 1 : i32
    scf.for %while3A_27 = %while3A_17 to %while3A_23 step %while3A_24  : i32 {
      %dma_start3A = arith.constant 0 : i32
      %dma_start3A_28 = tpu.memref_slice %arg7[%while3A_27, %dma_start3A] : memref<97x128xi32, #tpu.memory_space<vmem>> -> memref<1x128xi32, #tpu.memory_space<vmem>>
      %dma_start3A_29 = tpu.memref_squeeze %dma_start3A_28 : memref<1x128xi32, #tpu.memory_space<vmem>> -> memref<128xi32, #tpu.memory_space<vmem>>
      %dma_start3A_30 = arith.constant 0 : i32
      %dma_start3A_31 = arith.constant 0 : i32
      %dma_start3A_32 = tpu.memref_slice %arg2[%dma_start3A_30, %dma_start3A_31] : memref<10240x128xf32, #tpu.memory_space<hbm>> -> memref<10240x128xf32, #tpu.memory_space<hbm>>
      tpu.enqueue_indirect_dma source(%dma_start3A_32 : memref<10240x128xf32, #tpu.memory_space<hbm>>) target(%arg9 : memref<128x128xf32, #tpu.memory_space<vmem>>) offsets(%dma_start3A_29 : memref<128xi32, #tpu.memory_space<vmem>>) semaphore(%arg10 : memref<!tpu.dma_semaphore, #tpu.memory_space<semaphore_mem>>)
      %dma_wait3A = arith.constant 0 : i32
      %dma_wait3A_33 = tpu.memref_slice %arg7[%while3A_27, %dma_wait3A] : memref<97x128xi32, #tpu.memory_space<vmem>> -> memref<1x128xi32, #tpu.memory_space<vmem>>
      %dma_wait3A_34 = tpu.memref_squeeze %dma_wait3A_33 : memref<1x128xi32, #tpu.memory_space<vmem>> -> memref<128xi32, #tpu.memory_space<vmem>>
      %dma_wait3A_35 = arith.constant 0 : i32
      %dma_wait3A_36 = arith.constant 0 : i32
      %dma_wait3A_37 = tpu.memref_slice %arg2[%dma_wait3A_35, %dma_wait3A_36] : memref<10240x128xf32, #tpu.memory_space<hbm>> -> memref<10240x128xf32, #tpu.memory_space<hbm>>
      tpu.wait_indirect_dma semaphore(%arg10 : memref<!tpu.dma_semaphore, #tpu.memory_space<semaphore_mem>>) src(%dma_wait3A_37 : memref<10240x128xf32, #tpu.memory_space<hbm>>) dst(%arg9 : memref<128x128xf32, #tpu.memory_space<vmem>>)
      "tpu.region"() ({
        %run_scoped3A = tpu.sem_alloc : memref<!tpu.dma_semaphore, #tpu.memory_space<semaphore_mem>>
        %dma_start3A_38 = arith.constant 0 : i32
        %dma_start3A_39 = tpu.memref_slice %arg8[%while3A_27, %dma_start3A_38] : memref<97x128xi32, #tpu.memory_space<vmem>> -> memref<1x128xi32, #tpu.memory_space<vmem>>
        %dma_start3A_40 = tpu.memref_squeeze %dma_start3A_39 : memref<1x128xi32, #tpu.memory_space<vmem>> -> memref<128xi32, #tpu.memory_space<vmem>>
        %dma_start3A_41 = arith.constant 0 : i32
        %dma_start3A_42 = arith.constant 0 : i32
        %dma_start3A_43 = tpu.memref_slice %arg6[%dma_start3A_41, %dma_start3A_42] : memref<10240x128xf32, #tpu.memory_space<vmem_shared>> -> memref<10240x128xf32, #tpu.memory_space<vmem_shared>>
        tpu.enqueue_indirect_dma source(%arg9 : memref<128x128xf32, #tpu.memory_space<vmem>>) target(%dma_start3A_43 : memref<10240x128xf32, #tpu.memory_space<vmem_shared>>) offsets(%dma_start3A_40 : memref<128xi32, #tpu.memory_space<vmem>>) semaphore(%run_scoped3A : memref<!tpu.dma_semaphore, #tpu.memory_space<semaphore_mem>>) {add = true}
        %dma_wait3A_44 = arith.constant 0 : i32
        %dma_wait3A_45 = tpu.memref_slice %arg8[%while3A_27, %dma_wait3A_44] : memref<97x128xi32, #tpu.memory_space<vmem>> -> memref<1x128xi32, #tpu.memory_space<vmem>>
        %dma_wait3A_46 = tpu.memref_squeeze %dma_wait3A_45 : memref<1x128xi32, #tpu.memory_space<vmem>> -> memref<128xi32, #tpu.memory_space<vmem>>
        %dma_wait3A_47 = arith.constant 0 : i32
        %dma_wait3A_48 = arith.constant 0 : i32
        %dma_wait3A_49 = tpu.memref_slice %arg6[%dma_wait3A_47, %dma_wait3A_48] : memref<10240x128xf32, #tpu.memory_space<vmem_shared>> -> memref<10240x128xf32, #tpu.memory_space<vmem_shared>>
        tpu.wait_indirect_dma semaphore(%run_scoped3A : memref<!tpu.dma_semaphore, #tpu.memory_space<semaphore_mem>>) src(%arg9 : memref<128x128xf32, #tpu.memory_space<vmem>>) dst(%dma_wait3A_49 : memref<10240x128xf32, #tpu.memory_space<vmem_shared>>)
        tpu.yield
      }) : () -> ()
    }
    %while3A_25 = arith.constant 1 : i32
    scf.for %while3A_27 = %while3A_23 to %while3A_19 step %while3A_25  : i32 {
      %dma_start3A = arith.constant 0 : i32
      %dma_start3A_28 = tpu.memref_slice %arg7[%while3A_27, %dma_start3A] : memref<97x128xi32, #tpu.memory_space<vmem>> -> memref<1x128xi32, #tpu.memory_space<vmem>>
      %dma_start3A_29 = tpu.memref_squeeze %dma_start3A_28 : memref<1x128xi32, #tpu.memory_space<vmem>> -> memref<128xi32, #tpu.memory_space<vmem>>
      %dma_start3A_30 = arith.constant 0 : i32
      %dma_start3A_31 = arith.constant 0 : i32
      %dma_start3A_32 = tpu.memref_slice %arg2[%dma_start3A_30, %dma_start3A_31] : memref<10240x128xf32, #tpu.memory_space<hbm>> -> memref<10240x128xf32, #tpu.memory_space<hbm>>
      tpu.enqueue_indirect_dma source(%dma_start3A_32 : memref<10240x128xf32, #tpu.memory_space<hbm>>) target(%arg9 : memref<128x128xf32, #tpu.memory_space<vmem>>) offsets(%dma_start3A_29 : memref<128xi32, #tpu.memory_space<vmem>>) semaphore(%arg10 : memref<!tpu.dma_semaphore, #tpu.memory_space<semaphore_mem>>)
      %dma_wait3A = arith.constant 0 : i32
      %dma_wait3A_33 = tpu.memref_slice %arg7[%while3A_27, %dma_wait3A] : memref<97x128xi32, #tpu.memory_space<vmem>> -> memref<1x128xi32, #tpu.memory_space<vmem>>
      %dma_wait3A_34 = tpu.memref_squeeze %dma_wait3A_33 : memref<1x128xi32, #tpu.memory_space<vmem>> -> memref<128xi32, #tpu.memory_space<vmem>>
      %dma_wait3A_35 = arith.constant 0 : i32
      %dma_wait3A_36 = arith.constant 0 : i32
      %dma_wait3A_37 = tpu.memref_slice %arg2[%dma_wait3A_35, %dma_wait3A_36] : memref<10240x128xf32, #tpu.memory_space<hbm>> -> memref<10240x128xf32, #tpu.memory_space<hbm>>
      tpu.wait_indirect_dma semaphore(%arg10 : memref<!tpu.dma_semaphore, #tpu.memory_space<semaphore_mem>>) src(%dma_wait3A_37 : memref<10240x128xf32, #tpu.memory_space<hbm>>) dst(%arg9 : memref<128x128xf32, #tpu.memory_space<vmem>>)
      "tpu.region"() ({
        %run_scoped3A = tpu.sem_alloc : memref<!tpu.dma_semaphore, #tpu.memory_space<semaphore_mem>>
        %dma_start3A_38 = arith.constant 0 : i32
        %dma_start3A_39 = tpu.memref_slice %arg8[%while3A_27, %dma_start3A_38] : memref<97x128xi32, #tpu.memory_space<vmem>> -> memref<1x128xi32, #tpu.memory_space<vmem>>
        %dma_start3A_40 = tpu.memref_squeeze %dma_start3A_39 : memref<1x128xi32, #tpu.memory_space<vmem>> -> memref<128xi32, #tpu.memory_space<vmem>>
        %dma_start3A_41 = arith.constant 0 : i32
        %dma_start3A_42 = arith.constant 0 : i32
        %dma_start3A_43 = tpu.memref_slice %arg6[%dma_start3A_41, %dma_start3A_42] : memref<10240x128xf32, #tpu.memory_space<vmem_shared>> -> memref<10240x128xf32, #tpu.memory_space<vmem_shared>>
        tpu.enqueue_indirect_dma source(%arg9 : memref<128x128xf32, #tpu.memory_space<vmem>>) target(%dma_start3A_43 : memref<10240x128xf32, #tpu.memory_space<vmem_shared>>) offsets(%dma_start3A_40 : memref<128xi32, #tpu.memory_space<vmem>>) semaphore(%run_scoped3A : memref<!tpu.dma_semaphore, #tpu.memory_space<semaphore_mem>>) {add = true}
        %dma_wait3A_44 = arith.constant 0 : i32
        %dma_wait3A_45 = tpu.memref_slice %arg8[%while3A_27, %dma_wait3A_44] : memref<97x128xi32, #tpu.memory_space<vmem>> -> memref<1x128xi32, #tpu.memory_space<vmem>>
        %dma_wait3A_46 = tpu.memref_squeeze %dma_wait3A_45 : memref<1x128xi32, #tpu.memory_space<vmem>> -> memref<128xi32, #tpu.memory_space<vmem>>
        %dma_wait3A_47 = arith.constant 0 : i32
        %dma_wait3A_48 = arith.constant 0 : i32
        %dma_wait3A_49 = tpu.memref_slice %arg6[%dma_wait3A_47, %dma_wait3A_48] : memref<10240x128xf32, #tpu.memory_space<vmem_shared>> -> memref<10240x128xf32, #tpu.memory_space<vmem_shared>>
        tpu.wait_indirect_dma semaphore(%run_scoped3A : memref<!tpu.dma_semaphore, #tpu.memory_space<semaphore_mem>>) src(%arg9 : memref<128x128xf32, #tpu.memory_space<vmem>>) dst(%dma_wait3A_49 : memref<10240x128xf32, #tpu.memory_space<vmem_shared>>)
        tpu.yield
      }) : () -> ()
    }
    %barrier3A_26 = arith.constant 0 : index
    tpu.barrier barrier_id(%barrier3A_26)
    "tpu.region"() ({
      %run_scoped3A = tpu.sem_alloc : memref<!tpu.dma_semaphore, #tpu.memory_space<semaphore_mem>>
      %dma_start3A = arith.constant 0 : i32
      %dma_start3A_27 = arith.constant 0 : i32
      %dma_start3A_28 = tpu.memref_slice %arg5[%arg0, %dma_start3A, %dma_start3A_27] : memref<2x10240x128xf32, #tpu.memory_space<hbm>> -> memref<1x10240x128xf32, #tpu.memory_space<hbm>>
      %dma_start3A_29 = tpu.memref_squeeze %dma_start3A_28 : memref<1x10240x128xf32, #tpu.memory_space<hbm>> -> memref<10240x128xf32, #tpu.memory_space<hbm>>
      %dma_start3A_30 = arith.constant 0 : i32
      %dma_start3A_31 = tpu.memref_slice %dma_start3A_29[%mul3A_7, %dma_start3A_30] : memref<10240x128xf32, #tpu.memory_space<hbm>> -> memref<640x128xf32, #tpu.memory_space<hbm>>
      %dma_start3A_32 = arith.constant 0 : i32
      %dma_start3A_33 = tpu.memref_slice %arg6[%mul3A_7, %dma_start3A_32] : memref<10240x128xf32, #tpu.memory_space<vmem_shared>> -> memref<640x128xf32, #tpu.memory_space<vmem_shared>>
      tpu.enqueue_dma source(%dma_start3A_33 : memref<640x128xf32, #tpu.memory_space<vmem_shared>>) target(%dma_start3A_31 : memref<640x128xf32, #tpu.memory_space<hbm>>) target_semaphore(%run_scoped3A : memref<!tpu.dma_semaphore, #tpu.memory_space<semaphore_mem>>)
      %dma_wait3A = arith.constant 0 : i32
      %dma_wait3A_34 = arith.constant 0 : i32
      %dma_wait3A_35 = tpu.memref_slice %arg5[%arg0, %dma_wait3A, %dma_wait3A_34] : memref<2x10240x128xf32, #tpu.memory_space<hbm>> -> memref<1x10240x128xf32, #tpu.memory_space<hbm>>
      %dma_wait3A_36 = tpu.memref_squeeze %dma_wait3A_35 : memref<1x10240x128xf32, #tpu.memory_space<hbm>> -> memref<10240x128xf32, #tpu.memory_space<hbm>>
      %dma_wait3A_37 = arith.constant 0 : i32
      %dma_wait3A_38 = tpu.memref_slice %dma_wait3A_36[%mul3A_7, %dma_wait3A_37] : memref<10240x128xf32, #tpu.memory_space<hbm>> -> memref<640x128xf32, #tpu.memory_space<hbm>>
      %dma_wait3A_39 = arith.constant 0 : i32
      %dma_wait3A_40 = tpu.memref_slice %arg6[%mul3A_7, %dma_wait3A_39] : memref<10240x128xf32, #tpu.memory_space<vmem_shared>> -> memref<640x128xf32, #tpu.memory_space<vmem_shared>>
      tpu.wait_dma2 semaphore(%run_scoped3A : memref<!tpu.dma_semaphore, #tpu.memory_space<semaphore_mem>>) src(%dma_wait3A_40 : memref<640x128xf32, #tpu.memory_space<vmem_shared>>) dst(%dma_wait3A_38 : memref<640x128xf32, #tpu.memory_space<hbm>>)
      tpu.yield
    }) : () -> ()
    return
  }
}

#map = affine_map<(d0, d1) -> (0, 0, 0, 0)>
#map1 = affine_map<(d0, d1) -> (0, 0)>
module attributes {stable_mosaic.version = 14 : i64} {
  func.func @deg_kernel(%arg0: i32, %arg1: i32, %arg2: memref<2x16x97x128xi32, #tpu.memory_space<hbm>>, %arg3: memref<2x10240xf32, #tpu.memory_space<hbm>>, %arg4: memref<10240xf32, #tpu.memory_space<vmem_shared>>, %arg5: memref<97x128xi32, #tpu.memory_space<vmem>>, %arg6: memref<128xf32, #tpu.memory_space<vmem>>, %arg7: memref<640xf32, #tpu.memory_space<vmem>>) attributes {dimension_semantics = [#tpu.dimension_semantics<core_parallel>, #tpu.dimension_semantics<subcore_parallel>], iteration_bounds = array<i64: 2, 16>, scalar_prefetch = 0 : i64, scratch_operands = 4 : i64, tpu.core_type = #tpu.core_type<sc_vector_subcore>, window_params = [{transform_indices = #map}, {transform_indices = #map1}]} {
    %eq3A = arith.constant 0 : i32
    %eq3A_0 = arith.cmpi eq, %arg0, %eq3A : i32
    %jit3A = arith.constant 60 : i32
    %jit3A_1 = arith.constant 97 : i32
    %select_n3A = arith.select %eq3A_0, %jit3A, %jit3A_1 : i32
    %broadcast_in_dim3A = arith.constant 1.000000e+00 : f32
    %broadcast_in_dim3A_2 = vector.broadcast %broadcast_in_dim3A : f32 to vector<16xf32>
    %swap3A = arith.constant 0 : index
    %swap3A_3 = tpu.vector_load %arg6[%swap3A] {strides = array<i32>} : memref<128xf32, #tpu.memory_space<vmem>>, vector<16xf32>,
    %swap3A_4 = vector.shape_cast %swap3A_3 : vector<16xf32> to vector<16xf32>
    %swap3A_5 = vector.shape_cast %broadcast_in_dim3A_2 : vector<16xf32> to vector<16xf32>
    tpu.vector_store %arg6[%swap3A], %swap3A_5 {strides = array<i32>} : memref<128xf32, #tpu.memory_space<vmem>>, vector<16xf32>,
    %broadcast_in_dim3A_6 = arith.constant 1.000000e+00 : f32
    %broadcast_in_dim3A_7 = vector.broadcast %broadcast_in_dim3A_6 : f32 to vector<16xf32>
    %swap3A_8 = arith.constant 16 : index
    %swap3A_9 = tpu.vector_load %arg6[%swap3A_8] {strides = array<i32>} : memref<128xf32, #tpu.memory_space<vmem>>, vector<16xf32>,
    %swap3A_10 = vector.shape_cast %swap3A_9 : vector<16xf32> to vector<16xf32>
    %swap3A_11 = vector.shape_cast %broadcast_in_dim3A_7 : vector<16xf32> to vector<16xf32>
    tpu.vector_store %arg6[%swap3A_8], %swap3A_11 {strides = array<i32>} : memref<128xf32, #tpu.memory_space<vmem>>, vector<16xf32>,
    %broadcast_in_dim3A_12 = arith.constant 1.000000e+00 : f32
    %broadcast_in_dim3A_13 = vector.broadcast %broadcast_in_dim3A_12 : f32 to vector<16xf32>
    %swap3A_14 = arith.constant 32 : index
    %swap3A_15 = tpu.vector_load %arg6[%swap3A_14] {strides = array<i32>} : memref<128xf32, #tpu.memory_space<vmem>>, vector<16xf32>,
    %swap3A_16 = vector.shape_cast %swap3A_15 : vector<16xf32> to vector<16xf32>
    %swap3A_17 = vector.shape_cast %broadcast_in_dim3A_13 : vector<16xf32> to vector<16xf32>
    tpu.vector_store %arg6[%swap3A_14], %swap3A_17 {strides = array<i32>} : memref<128xf32, #tpu.memory_space<vmem>>, vector<16xf32>,
    %broadcast_in_dim3A_18 = arith.constant 1.000000e+00 : f32
    %broadcast_in_dim3A_19 = vector.broadcast %broadcast_in_dim3A_18 : f32 to vector<16xf32>
    %swap3A_20 = arith.constant 48 : index
    %swap3A_21 = tpu.vector_load %arg6[%swap3A_20] {strides = array<i32>} : memref<128xf32, #tpu.memory_space<vmem>>, vector<16xf32>,
    %swap3A_22 = vector.shape_cast %swap3A_21 : vector<16xf32> to vector<16xf32>
    %swap3A_23 = vector.shape_cast %broadcast_in_dim3A_19 : vector<16xf32> to vector<16xf32>
    tpu.vector_store %arg6[%swap3A_20], %swap3A_23 {strides = array<i32>} : memref<128xf32, #tpu.memory_space<vmem>>, vector<16xf32>,
    %broadcast_in_dim3A_24 = arith.constant 1.000000e+00 : f32
    %broadcast_in_dim3A_25 = vector.broadcast %broadcast_in_dim3A_24 : f32 to vector<16xf32>
    %swap3A_26 = arith.constant 64 : index
    %swap3A_27 = tpu.vector_load %arg6[%swap3A_26] {strides = array<i32>} : memref<128xf32, #tpu.memory_space<vmem>>, vector<16xf32>,
    %swap3A_28 = vector.shape_cast %swap3A_27 : vector<16xf32> to vector<16xf32>
    %swap3A_29 = vector.shape_cast %broadcast_in_dim3A_25 : vector<16xf32> to vector<16xf32>
    tpu.vector_store %arg6[%swap3A_26], %swap3A_29 {strides = array<i32>} : memref<128xf32, #tpu.memory_space<vmem>>, vector<16xf32>,
    %broadcast_in_dim3A_30 = arith.constant 1.000000e+00 : f32
    %broadcast_in_dim3A_31 = vector.broadcast %broadcast_in_dim3A_30 : f32 to vector<16xf32>
    %swap3A_32 = arith.constant 80 : index
    %swap3A_33 = tpu.vector_load %arg6[%swap3A_32] {strides = array<i32>} : memref<128xf32, #tpu.memory_space<vmem>>, vector<16xf32>,
    %swap3A_34 = vector.shape_cast %swap3A_33 : vector<16xf32> to vector<16xf32>
    %swap3A_35 = vector.shape_cast %broadcast_in_dim3A_31 : vector<16xf32> to vector<16xf32>
    tpu.vector_store %arg6[%swap3A_32], %swap3A_35 {strides = array<i32>} : memref<128xf32, #tpu.memory_space<vmem>>, vector<16xf32>,
    %broadcast_in_dim3A_36 = arith.constant 1.000000e+00 : f32
    %broadcast_in_dim3A_37 = vector.broadcast %broadcast_in_dim3A_36 : f32 to vector<16xf32>
    %swap3A_38 = arith.constant 96 : index
    %swap3A_39 = tpu.vector_load %arg6[%swap3A_38] {strides = array<i32>} : memref<128xf32, #tpu.memory_space<vmem>>, vector<16xf32>,
    %swap3A_40 = vector.shape_cast %swap3A_39 : vector<16xf32> to vector<16xf32>
    %swap3A_41 = vector.shape_cast %broadcast_in_dim3A_37 : vector<16xf32> to vector<16xf32>
    tpu.vector_store %arg6[%swap3A_38], %swap3A_41 {strides = array<i32>} : memref<128xf32, #tpu.memory_space<vmem>>, vector<16xf32>,
    %broadcast_in_dim3A_42 = arith.constant 1.000000e+00 : f32
    %broadcast_in_dim3A_43 = vector.broadcast %broadcast_in_dim3A_42 : f32 to vector<16xf32>
    %swap3A_44 = arith.constant 112 : index
    %swap3A_45 = tpu.vector_load %arg6[%swap3A_44] {strides = array<i32>} : memref<128xf32, #tpu.memory_space<vmem>>, vector<16xf32>,
    %swap3A_46 = vector.shape_cast %swap3A_45 : vector<16xf32> to vector<16xf32>
    %swap3A_47 = vector.shape_cast %broadcast_in_dim3A_43 : vector<16xf32> to vector<16xf32>
    tpu.vector_store %arg6[%swap3A_44], %swap3A_47 {strides = array<i32>} : memref<128xf32, #tpu.memory_space<vmem>>, vector<16xf32>,
    %scan3A = arith.constant 0 : i32
    %scan3A_48 = arith.constant 0 : i32
    %scan3A_49 = arith.constant 40 : i32
    %scan3A_50 = arith.addi %scan3A_48, %scan3A_49 : i32
    %scan3A_51 = arith.constant 1 : i32
    scf.for %scan3A_68 = %scan3A_48 to %scan3A_50 step %scan3A_51  : i32 {
      %broadcast_in_dim3A_69 = arith.constant 0.000000e+00 : f32
      %broadcast_in_dim3A_70 = vector.broadcast %broadcast_in_dim3A_69 : f32 to vector<16xf32>
      %mul3A_71 = arith.constant 16 : i32
      %mul3A_72 = arith.muli %scan3A_68, %mul3A_71 : i32
      %swap3A_73 = arith.index_cast %mul3A_72 : i32 to index
      %swap3A_74 = tpu.vector_load %arg7[%swap3A_73] {strides = array<i32>} : memref<640xf32, #tpu.memory_space<vmem>>, vector<16xf32>,
      %swap3A_75 = vector.shape_cast %swap3A_74 : vector<16xf32> to vector<16xf32>
      %swap3A_76 = vector.shape_cast %broadcast_in_dim3A_70 : vector<16xf32> to vector<16xf32>
      tpu.vector_store %arg7[%swap3A_73], %swap3A_76 {strides = array<i32>} : memref<640xf32, #tpu.memory_space<vmem>>, vector<16xf32>,
    }
    %scan3A_52 = arith.constant 40 : i32
    %mul3A = arith.constant 640 : i32
    %mul3A_53 = arith.muli %arg1, %mul3A : i32
    "tpu.region"() ({
      %run_scoped3A = tpu.sem_alloc : memref<!tpu.dma_semaphore, #tpu.memory_space<semaphore_mem>>
      %dma_start3A = tpu.memref_slice %arg4[%mul3A_53] : memref<10240xf32, #tpu.memory_space<vmem_shared>> -> memref<640xf32, #tpu.memory_space<vmem_shared>>
      %dma_start3A_68 = tpu.memref_slice %arg4[%mul3A_53] : memref<10240xf32, #tpu.memory_space<vmem_shared>> -> memref<640xf32, #tpu.memory_space<vmem_shared>>
      tpu.enqueue_dma source(%arg7 : memref<640xf32, #tpu.memory_space<vmem>>) target(%dma_start3A_68 : memref<640xf32, #tpu.memory_space<vmem_shared>>) target_semaphore(%run_scoped3A : memref<!tpu.dma_semaphore, #tpu.memory_space<semaphore_mem>>)
      %dma_wait3A = tpu.memref_slice %arg4[%mul3A_53] : memref<10240xf32, #tpu.memory_space<vmem_shared>> -> memref<640xf32, #tpu.memory_space<vmem_shared>>
      %dma_wait3A_69 = tpu.memref_slice %arg4[%mul3A_53] : memref<10240xf32, #tpu.memory_space<vmem_shared>> -> memref<640xf32, #tpu.memory_space<vmem_shared>>
      tpu.wait_dma2 semaphore(%run_scoped3A : memref<!tpu.dma_semaphore, #tpu.memory_space<semaphore_mem>>) src(%arg7 : memref<640xf32, #tpu.memory_space<vmem>>) dst(%dma_wait3A_69 : memref<640xf32, #tpu.memory_space<vmem_shared>>)
      tpu.yield
    }) : () -> ()
    "tpu.region"() ({
      %run_scoped3A = tpu.sem_alloc : memref<!tpu.dma_semaphore, #tpu.memory_space<semaphore_mem>>
      %dma_start3A = arith.constant 0 : i32
      %dma_start3A_68 = arith.constant 0 : i32
      %dma_start3A_69 = arith.constant 0 : i32
      %dma_start3A_70 = tpu.memref_slice %arg2[%arg0, %dma_start3A, %dma_start3A_68, %dma_start3A_69] : memref<2x16x97x128xi32, #tpu.memory_space<hbm>> -> memref<1x16x97x128xi32, #tpu.memory_space<hbm>>
      %dma_start3A_71 = tpu.memref_squeeze %dma_start3A_70 : memref<1x16x97x128xi32, #tpu.memory_space<hbm>> -> memref<16x97x128xi32, #tpu.memory_space<hbm>>
      %dma_start3A_72 = arith.constant 0 : i32
      %dma_start3A_73 = arith.constant 0 : i32
      %dma_start3A_74 = tpu.memref_slice %dma_start3A_71[%arg1, %dma_start3A_72, %dma_start3A_73] : memref<16x97x128xi32, #tpu.memory_space<hbm>> -> memref<1x97x128xi32, #tpu.memory_space<hbm>>
      %dma_start3A_75 = tpu.memref_squeeze %dma_start3A_74 : memref<1x97x128xi32, #tpu.memory_space<hbm>> -> memref<97x128xi32, #tpu.memory_space<hbm>>
      %dma_start3A_76 = arith.constant 0 : i32
      %dma_start3A_77 = arith.constant 0 : i32
      %dma_start3A_78 = arith.constant 0 : i32
      %dma_start3A_79 = tpu.memref_slice %arg2[%arg0, %dma_start3A_76, %dma_start3A_77, %dma_start3A_78] : memref<2x16x97x128xi32, #tpu.memory_space<hbm>> -> memref<1x16x97x128xi32, #tpu.memory_space<hbm>>
      %dma_start3A_80 = tpu.memref_squeeze %dma_start3A_79 : memref<1x16x97x128xi32, #tpu.memory_space<hbm>> -> memref<16x97x128xi32, #tpu.memory_space<hbm>>
      %dma_start3A_81 = arith.constant 0 : i32
      %dma_start3A_82 = arith.constant 0 : i32
      %dma_start3A_83 = tpu.memref_slice %dma_start3A_80[%arg1, %dma_start3A_81, %dma_start3A_82] : memref<16x97x128xi32, #tpu.memory_space<hbm>> -> memref<1x97x128xi32, #tpu.memory_space<hbm>>
      %dma_start3A_84 = tpu.memref_squeeze %dma_start3A_83 : memref<1x97x128xi32, #tpu.memory_space<hbm>> -> memref<97x128xi32, #tpu.memory_space<hbm>>
      tpu.enqueue_dma source(%dma_start3A_84 : memref<97x128xi32, #tpu.memory_space<hbm>>) target(%arg5 : memref<97x128xi32, #tpu.memory_space<vmem>>) target_semaphore(%run_scoped3A : memref<!tpu.dma_semaphore, #tpu.memory_space<semaphore_mem>>)
      %dma_wait3A = arith.constant 0 : i32
      %dma_wait3A_85 = arith.constant 0 : i32
      %dma_wait3A_86 = arith.constant 0 : i32
      %dma_wait3A_87 = tpu.memref_slice %arg2[%arg0, %dma_wait3A, %dma_wait3A_85, %dma_wait3A_86] : memref<2x16x97x128xi32, #tpu.memory_space<hbm>> -> memref<1x16x97x128xi32, #tpu.memory_space<hbm>>
      %dma_wait3A_88 = tpu.memref_squeeze %dma_wait3A_87 : memref<1x16x97x128xi32, #tpu.memory_space<hbm>> -> memref<16x97x128xi32, #tpu.memory_space<hbm>>
      %dma_wait3A_89 = arith.constant 0 : i32
      %dma_wait3A_90 = arith.constant 0 : i32
      %dma_wait3A_91 = tpu.memref_slice %dma_wait3A_88[%arg1, %dma_wait3A_89, %dma_wait3A_90] : memref<16x97x128xi32, #tpu.memory_space<hbm>> -> memref<1x97x128xi32, #tpu.memory_space<hbm>>
      %dma_wait3A_92 = tpu.memref_squeeze %dma_wait3A_91 : memref<1x97x128xi32, #tpu.memory_space<hbm>> -> memref<97x128xi32, #tpu.memory_space<hbm>>
      %dma_wait3A_93 = arith.constant 0 : i32
      %dma_wait3A_94 = arith.constant 0 : i32
      %dma_wait3A_95 = arith.constant 0 : i32
      %dma_wait3A_96 = tpu.memref_slice %arg2[%arg0, %dma_wait3A_93, %dma_wait3A_94, %dma_wait3A_95] : memref<2x16x97x128xi32, #tpu.memory_space<hbm>> -> memref<1x16x97x128xi32, #tpu.memory_space<hbm>>
      %dma_wait3A_97 = tpu.memref_squeeze %dma_wait3A_96 : memref<1x16x97x128xi32, #tpu.memory_space<hbm>> -> memref<16x97x128xi32, #tpu.memory_space<hbm>>
      %dma_wait3A_98 = arith.constant 0 : i32
      %dma_wait3A_99 = arith.constant 0 : i32
      %dma_wait3A_100 = tpu.memref_slice %dma_wait3A_97[%arg1, %dma_wait3A_98, %dma_wait3A_99] : memref<16x97x128xi32, #tpu.memory_space<hbm>> -> memref<1x97x128xi32, #tpu.memory_space<hbm>>
      %dma_wait3A_101 = tpu.memref_squeeze %dma_wait3A_100 : memref<1x97x128xi32, #tpu.memory_space<hbm>> -> memref<97x128xi32, #tpu.memory_space<hbm>>
      tpu.wait_dma2 semaphore(%run_scoped3A : memref<!tpu.dma_semaphore, #tpu.memory_space<semaphore_mem>>) src(%dma_wait3A_101 : memref<97x128xi32, #tpu.memory_space<hbm>>) dst(%arg5 : memref<97x128xi32, #tpu.memory_space<vmem>>)
      tpu.yield
    }) : () -> ()
    %barrier3A = arith.constant 0 : index
    tpu.barrier barrier_id(%barrier3A)
    %while3A = arith.constant 0 : i32
    %while3A_54 = arith.constant 0 : i32
    %while3A_55 = arith.subi %select_n3A, %while3A_54 : i32
    %while3A_56 = arith.addi %while3A_54, %while3A_55 : i32
    %while3A_57 = arith.constant 1 : i32
    %while3A_58 = arith.divsi %while3A_55, %while3A_57 : i32
    %while3A_59 = arith.muli %while3A_58, %while3A_57 : i32
    %while3A_60 = arith.addi %while3A_54, %while3A_59 : i32
    %while3A_61 = arith.constant 1 : i32
    scf.for %while3A_68 = %while3A_54 to %while3A_60 step %while3A_61  : i32 {
      "tpu.region"() ({
        %run_scoped3A = tpu.sem_alloc : memref<!tpu.dma_semaphore, #tpu.memory_space<semaphore_mem>>
        %dma_start3A = arith.constant 0 : i32
        %dma_start3A_69 = tpu.memref_slice %arg5[%while3A_68, %dma_start3A] : memref<97x128xi32, #tpu.memory_space<vmem>> -> memref<1x128xi32, #tpu.memory_space<vmem>>
        %dma_start3A_70 = tpu.memref_squeeze %dma_start3A_69 : memref<1x128xi32, #tpu.memory_space<vmem>> -> memref<128xi32, #tpu.memory_space<vmem>>
        %dma_start3A_71 = arith.constant 0 : i32
        %dma_start3A_72 = tpu.memref_slice %arg4[%dma_start3A_71] : memref<10240xf32, #tpu.memory_space<vmem_shared>> -> memref<10240xf32, #tpu.memory_space<vmem_shared>>
        tpu.enqueue_indirect_dma source(%arg6 : memref<128xf32, #tpu.memory_space<vmem>>) target(%dma_start3A_72 : memref<10240xf32, #tpu.memory_space<vmem_shared>>) offsets(%dma_start3A_70 : memref<128xi32, #tpu.memory_space<vmem>>) semaphore(%run_scoped3A : memref<!tpu.dma_semaphore, #tpu.memory_space<semaphore_mem>>) {add = true}
        %dma_wait3A = arith.constant 0 : i32
        %dma_wait3A_73 = tpu.memref_slice %arg5[%while3A_68, %dma_wait3A] : memref<97x128xi32, #tpu.memory_space<vmem>> -> memref<1x128xi32, #tpu.memory_space<vmem>>
        %dma_wait3A_74 = tpu.memref_squeeze %dma_wait3A_73 : memref<1x128xi32, #tpu.memory_space<vmem>> -> memref<128xi32, #tpu.memory_space<vmem>>
        %dma_wait3A_75 = arith.constant 0 : i32
        %dma_wait3A_76 = tpu.memref_slice %arg4[%dma_wait3A_75] : memref<10240xf32, #tpu.memory_space<vmem_shared>> -> memref<10240xf32, #tpu.memory_space<vmem_shared>>
        tpu.wait_indirect_dma semaphore(%run_scoped3A : memref<!tpu.dma_semaphore, #tpu.memory_space<semaphore_mem>>) src(%arg6 : memref<128xf32, #tpu.memory_space<vmem>>) dst(%dma_wait3A_76 : memref<10240xf32, #tpu.memory_space<vmem_shared>>)
        tpu.yield
      }) : () -> ()
    }
    %while3A_62 = arith.constant 1 : i32
    scf.for %while3A_68 = %while3A_60 to %while3A_56 step %while3A_62  : i32 {
      "tpu.region"() ({
        %run_scoped3A = tpu.sem_alloc : memref<!tpu.dma_semaphore, #tpu.memory_space<semaphore_mem>>
        %dma_start3A = arith.constant 0 : i32
        %dma_start3A_69 = tpu.memref_slice %arg5[%while3A_68, %dma_start3A] : memref<97x128xi32, #tpu.memory_space<vmem>> -> memref<1x128xi32, #tpu.memory_space<vmem>>
        %dma_start3A_70 = tpu.memref_squeeze %dma_start3A_69 : memref<1x128xi32, #tpu.memory_space<vmem>> -> memref<128xi32, #tpu.memory_space<vmem>>
        %dma_start3A_71 = arith.constant 0 : i32
        %dma_start3A_72 = tpu.memref_slice %arg4[%dma_start3A_71] : memref<10240xf32, #tpu.memory_space<vmem_shared>> -> memref<10240xf32, #tpu.memory_space<vmem_shared>>
        tpu.enqueue_indirect_dma source(%arg6 : memref<128xf32, #tpu.memory_space<vmem>>) target(%dma_start3A_72 : memref<10240xf32, #tpu.memory_space<vmem_shared>>) offsets(%dma_start3A_70 : memref<128xi32, #tpu.memory_space<vmem>>) semaphore(%run_scoped3A : memref<!tpu.dma_semaphore, #tpu.memory_space<semaphore_mem>>) {add = true}
        %dma_wait3A = arith.constant 0 : i32
        %dma_wait3A_73 = tpu.memref_slice %arg5[%while3A_68, %dma_wait3A] : memref<97x128xi32, #tpu.memory_space<vmem>> -> memref<1x128xi32, #tpu.memory_space<vmem>>
        %dma_wait3A_74 = tpu.memref_squeeze %dma_wait3A_73 : memref<1x128xi32, #tpu.memory_space<vmem>> -> memref<128xi32, #tpu.memory_space<vmem>>
        %dma_wait3A_75 = arith.constant 0 : i32
        %dma_wait3A_76 = tpu.memref_slice %arg4[%dma_wait3A_75] : memref<10240xf32, #tpu.memory_space<vmem_shared>> -> memref<10240xf32, #tpu.memory_space<vmem_shared>>
        tpu.wait_indirect_dma semaphore(%run_scoped3A : memref<!tpu.dma_semaphore, #tpu.memory_space<semaphore_mem>>) src(%arg6 : memref<128xf32, #tpu.memory_space<vmem>>) dst(%dma_wait3A_76 : memref<10240xf32, #tpu.memory_space<vmem_shared>>)
        tpu.yield
      }) : () -> ()
    }
    %barrier3A_63 = arith.constant 0 : index
    tpu.barrier barrier_id(%barrier3A_63)
    %mul3A_64 = arith.constant 640 : i32
    %mul3A_65 = arith.muli %arg1, %mul3A_64 : i32
    %mul3A_66 = arith.constant 640 : i32
    %mul3A_67 = arith.muli %arg1, %mul3A_66 : i32
    "tpu.region"() ({
      %run_scoped3A = tpu.sem_alloc : memref<!tpu.dma_semaphore, #tpu.memory_space<semaphore_mem>>
      %dma_start3A = arith.constant 0 : i32
      %dma_start3A_68 = tpu.memref_slice %arg3[%arg0, %dma_start3A] : memref<2x10240xf32, #tpu.memory_space<hbm>> -> memref<1x10240xf32, #tpu.memory_space<hbm>>
      %dma_start3A_69 = tpu.memref_squeeze %dma_start3A_68 : memref<1x10240xf32, #tpu.memory_space<hbm>> -> memref<10240xf32, #tpu.memory_space<hbm>>
      %dma_start3A_70 = tpu.memref_slice %dma_start3A_69[%mul3A_67] : memref<10240xf32, #tpu.memory_space<hbm>> -> memref<640xf32, #tpu.memory_space<hbm>>
      %dma_start3A_71 = tpu.memref_slice %arg4[%mul3A_65] : memref<10240xf32, #tpu.memory_space<vmem_shared>> -> memref<640xf32, #tpu.memory_space<vmem_shared>>
      tpu.enqueue_dma source(%dma_start3A_71 : memref<640xf32, #tpu.memory_space<vmem_shared>>) target(%dma_start3A_70 : memref<640xf32, #tpu.memory_space<hbm>>) target_semaphore(%run_scoped3A : memref<!tpu.dma_semaphore, #tpu.memory_space<semaphore_mem>>)
      %dma_wait3A = arith.constant 0 : i32
      %dma_wait3A_72 = tpu.memref_slice %arg3[%arg0, %dma_wait3A] : memref<2x10240xf32, #tpu.memory_space<hbm>> -> memref<1x10240xf32, #tpu.memory_space<hbm>>
      %dma_wait3A_73 = tpu.memref_squeeze %dma_wait3A_72 : memref<1x10240xf32, #tpu.memory_space<hbm>> -> memref<10240xf32, #tpu.memory_space<hbm>>
      %dma_wait3A_74 = tpu.memref_slice %dma_wait3A_73[%mul3A_67] : memref<10240xf32, #tpu.memory_space<hbm>> -> memref<640xf32, #tpu.memory_space<hbm>>
      %dma_wait3A_75 = tpu.memref_slice %arg4[%mul3A_65] : memref<10240xf32, #tpu.memory_space<vmem_shared>> -> memref<640xf32, #tpu.memory_space<vmem_shared>>
      tpu.wait_dma2 semaphore(%run_scoped3A : memref<!tpu.dma_semaphore, #tpu.memory_space<semaphore_mem>>) src(%dma_wait3A_75 : memref<640xf32, #tpu.memory_space<vmem_shared>>) dst(%dma_wait3A_74 : memref<640xf32, #tpu.memory_space<hbm>>)
      tpu.yield
    }) : () -> ()
    return
  }
}

#map = affine_map<(d0, d1) -> (0, 0)>
#map1 = affine_map<(d0, d1) -> (0, 0, 0, 0)>
#map2 = affine_map<(d0, d1) -> (0, 0, 0)>
module attributes {stable_mosaic.version = 14 : i64} {
  func.func @prop_kernel(%arg0: i32, %arg1: i32, %arg2: memref<10240x128xf32, #tpu.memory_space<hbm>>, %arg3: memref<2x16x97x128xi32, #tpu.memory_space<hbm>>, %arg4: memref<2x16x97x128xi32, #tpu.memory_space<hbm>>, %arg5: memref<2x10240x128xf32, #tpu.memory_space<hbm>>, %arg6: memref<10240x128xf32, #tpu.memory_space<vmem_shared>>, %arg7: memref<97x128xi32, #tpu.memory_space<vmem>>, %arg8: memref<97x128xi32, #tpu.memory_space<vmem>>, %arg9: memref<128x128xf32, #tpu.memory_space<vmem>>, %arg10: memref<!tpu.dma_semaphore, #tpu.memory_space<semaphore_mem>>) attributes {dimension_semantics = [#tpu.dimension_semantics<core_parallel>, #tpu.dimension_semantics<subcore_parallel>], iteration_bounds = array<i64: 2, 16>, scalar_prefetch = 0 : i64, scratch_operands = 5 : i64, tpu.core_type = #tpu.core_type<sc_vector_subcore>, window_params = [{transform_indices = #map}, {transform_indices = #map1}, {transform_indices = #map1}, {transform_indices = #map2}]} {
    %eq3A = arith.constant 0 : i32
    %eq3A_0 = arith.cmpi eq, %arg0, %eq3A : i32
    %jit3A = arith.constant 60 : i32
    %jit3A_1 = arith.constant 97 : i32
    %select_n3A = arith.select %eq3A_0, %jit3A, %jit3A_1 : i32
    %scan3A = arith.constant 0 : i32
    %scan3A_2 = arith.constant 0 : i32
    %scan3A_3 = arith.constant 128 : i32
    %scan3A_4 = arith.addi %scan3A_2, %scan3A_3 : i32
    %scan3A_5 = arith.constant 1 : i32
    scf.for %scan3A_27 = %scan3A_2 to %scan3A_4 step %scan3A_5  : i32 {
      %broadcast_in_dim3A = arith.constant 0.000000e+00 : f32
      %broadcast_in_dim3A_28 = vector.broadcast %broadcast_in_dim3A : f32 to vector<16xf32>
      %swap3A = arith.index_cast %scan3A_27 : i32 to index
      %swap3A_29 = arith.constant 0 : index
      %swap3A_30 = tpu.vector_load %arg9[%swap3A, %swap3A_29] {strides = array<i32>} : memref<128x128xf32, #tpu.memory_space<vmem>>, vector<1x16xf32>,
      %swap3A_31 = vector.shape_cast %swap3A_30 : vector<1x16xf32> to vector<16xf32>
      %swap3A_32 = vector.shape_cast %broadcast_in_dim3A_28 : vector<16xf32> to vector<1x16xf32>
      tpu.vector_store %arg9[%swap3A, %swap3A_29], %swap3A_32 {strides = array<i32>} : memref<128x128xf32, #tpu.memory_space<vmem>>, vector<1x16xf32>,
      %broadcast_in_dim3A_33 = arith.constant 0.000000e+00 : f32
      %broadcast_in_dim3A_34 = vector.broadcast %broadcast_in_dim3A_33 : f32 to vector<16xf32>
      %swap3A_35 = arith.index_cast %scan3A_27 : i32 to index
      %swap3A_36 = arith.constant 16 : index
      %swap3A_37 = tpu.vector_load %arg9[%swap3A_35, %swap3A_36] {strides = array<i32>} : memref<128x128xf32, #tpu.memory_space<vmem>>, vector<1x16xf32>,
      %swap3A_38 = vector.shape_cast %swap3A_37 : vector<1x16xf32> to vector<16xf32>
      %swap3A_39 = vector.shape_cast %broadcast_in_dim3A_34 : vector<16xf32> to vector<1x16xf32>
      tpu.vector_store %arg9[%swap3A_35, %swap3A_36], %swap3A_39 {strides = array<i32>} : memref<128x128xf32, #tpu.memory_space<vmem>>, vector<1x16xf32>,
      %broadcast_in_dim3A_40 = arith.constant 0.000000e+00 : f32
      %broadcast_in_dim3A_41 = vector.broadcast %broadcast_in_dim3A_40 : f32 to vector<16xf32>
      %swap3A_42 = arith.index_cast %scan3A_27 : i32 to index
      %swap3A_43 = arith.constant 32 : index
      %swap3A_44 = tpu.vector_load %arg9[%swap3A_42, %swap3A_43] {strides = array<i32>} : memref<128x128xf32, #tpu.memory_space<vmem>>, vector<1x16xf32>,
      %swap3A_45 = vector.shape_cast %swap3A_44 : vector<1x16xf32> to vector<16xf32>
      %swap3A_46 = vector.shape_cast %broadcast_in_dim3A_41 : vector<16xf32> to vector<1x16xf32>
      tpu.vector_store %arg9[%swap3A_42, %swap3A_43], %swap3A_46 {strides = array<i32>} : memref<128x128xf32, #tpu.memory_space<vmem>>, vector<1x16xf32>,
      %broadcast_in_dim3A_47 = arith.constant 0.000000e+00 : f32
      %broadcast_in_dim3A_48 = vector.broadcast %broadcast_in_dim3A_47 : f32 to vector<16xf32>
      %swap3A_49 = arith.index_cast %scan3A_27 : i32 to index
      %swap3A_50 = arith.constant 48 : index
      %swap3A_51 = tpu.vector_load %arg9[%swap3A_49, %swap3A_50] {strides = array<i32>} : memref<128x128xf32, #tpu.memory_space<vmem>>, vector<1x16xf32>,
      %swap3A_52 = vector.shape_cast %swap3A_51 : vector<1x16xf32> to vector<16xf32>
      %swap3A_53 = vector.shape_cast %broadcast_in_dim3A_48 : vector<16xf32> to vector<1x16xf32>
      tpu.vector_store %arg9[%swap3A_49, %swap3A_50], %swap3A_53 {strides = array<i32>} : memref<128x128xf32, #tpu.memory_space<vmem>>, vector<1x16xf32>,
      %broadcast_in_dim3A_54 = arith.constant 0.000000e+00 : f32
      %broadcast_in_dim3A_55 = vector.broadcast %broadcast_in_dim3A_54 : f32 to vector<16xf32>
      %swap3A_56 = arith.index_cast %scan3A_27 : i32 to index
      %swap3A_57 = arith.constant 64 : index
      %swap3A_58 = tpu.vector_load %arg9[%swap3A_56, %swap3A_57] {strides = array<i32>} : memref<128x128xf32, #tpu.memory_space<vmem>>, vector<1x16xf32>,
      %swap3A_59 = vector.shape_cast %swap3A_58 : vector<1x16xf32> to vector<16xf32>
      %swap3A_60 = vector.shape_cast %broadcast_in_dim3A_55 : vector<16xf32> to vector<1x16xf32>
      tpu.vector_store %arg9[%swap3A_56, %swap3A_57], %swap3A_60 {strides = array<i32>} : memref<128x128xf32, #tpu.memory_space<vmem>>, vector<1x16xf32>,
      %broadcast_in_dim3A_61 = arith.constant 0.000000e+00 : f32
      %broadcast_in_dim3A_62 = vector.broadcast %broadcast_in_dim3A_61 : f32 to vector<16xf32>
      %swap3A_63 = arith.index_cast %scan3A_27 : i32 to index
      %swap3A_64 = arith.constant 80 : index
      %swap3A_65 = tpu.vector_load %arg9[%swap3A_63, %swap3A_64] {strides = array<i32>} : memref<128x128xf32, #tpu.memory_space<vmem>>, vector<1x16xf32>,
      %swap3A_66 = vector.shape_cast %swap3A_65 : vector<1x16xf32> to vector<16xf32>
      %swap3A_67 = vector.shape_cast %broadcast_in_dim3A_62 : vector<16xf32> to vector<1x16xf32>
      tpu.vector_store %arg9[%swap3A_63, %swap3A_64], %swap3A_67 {strides = array<i32>} : memref<128x128xf32, #tpu.memory_space<vmem>>, vector<1x16xf32>,
      %broadcast_in_dim3A_68 = arith.constant 0.000000e+00 : f32
      %broadcast_in_dim3A_69 = vector.broadcast %broadcast_in_dim3A_68 : f32 to vector<16xf32>
      %swap3A_70 = arith.index_cast %scan3A_27 : i32 to index
      %swap3A_71 = arith.constant 96 : index
      %swap3A_72 = tpu.vector_load %arg9[%swap3A_70, %swap3A_71] {strides = array<i32>} : memref<128x128xf32, #tpu.memory_space<vmem>>, vector<1x16xf32>,
      %swap3A_73 = vector.shape_cast %swap3A_72 : vector<1x16xf32> to vector<16xf32>
      %swap3A_74 = vector.shape_cast %broadcast_in_dim3A_69 : vector<16xf32> to vector<1x16xf32>
      tpu.vector_store %arg9[%swap3A_70, %swap3A_71], %swap3A_74 {strides = array<i32>} : memref<128x128xf32, #tpu.memory_space<vmem>>, vector<1x16xf32>,
      %broadcast_in_dim3A_75 = arith.constant 0.000000e+00 : f32
      %broadcast_in_dim3A_76 = vector.broadcast %broadcast_in_dim3A_75 : f32 to vector<16xf32>
      %swap3A_77 = arith.index_cast %scan3A_27 : i32 to index
      %swap3A_78 = arith.constant 112 : index
      %swap3A_79 = tpu.vector_load %arg9[%swap3A_77, %swap3A_78] {strides = array<i32>} : memref<128x128xf32, #tpu.memory_space<vmem>>, vector<1x16xf32>,
      %swap3A_80 = vector.shape_cast %swap3A_79 : vector<1x16xf32> to vector<16xf32>
      %swap3A_81 = vector.shape_cast %broadcast_in_dim3A_76 : vector<16xf32> to vector<1x16xf32>
      tpu.vector_store %arg9[%swap3A_77, %swap3A_78], %swap3A_81 {strides = array<i32>} : memref<128x128xf32, #tpu.memory_space<vmem>>, vector<1x16xf32>,
    }
    %scan3A_6 = arith.constant 128 : i32
    %mul3A = arith.constant 640 : i32
    %mul3A_7 = arith.muli %arg1, %mul3A : i32
    %add3A = arith.constant 0 : i32
    %add3A_8 = arith.addi %mul3A_7, %add3A : i32
    "tpu.region"() ({
      %run_scoped3A = tpu.sem_alloc : memref<!tpu.dma_semaphore, #tpu.memory_space<semaphore_mem>>
      %dma_start3A = arith.constant 0 : i32
      %dma_start3A_27 = tpu.memref_slice %arg6[%add3A_8, %dma_start3A] : memref<10240x128xf32, #tpu.memory_space<vmem_shared>> -> memref<128x128xf32, #tpu.memory_space<vmem_shared>>
      %dma_start3A_28 = arith.constant 0 : i32
      %dma_start3A_29 = tpu.memref_slice %arg6[%add3A_8, %dma_start3A_28] : memref<10240x128xf32, #tpu.memory_space<vmem_shared>> -> memref<128x128xf32, #tpu.memory_space<vmem_shared>>
      tpu.enqueue_dma source(%arg9 : memref<128x128xf32, #tpu.memory_space<vmem>>) target(%dma_start3A_29 : memref<128x128xf32, #tpu.memory_space<vmem_shared>>) target_semaphore(%run_scoped3A : memref<!tpu.dma_semaphore, #tpu.memory_space<semaphore_mem>>)
      %dma_wait3A = arith.constant 0 : i32
      %dma_wait3A_30 = tpu.memref_slice %arg6[%add3A_8, %dma_wait3A] : memref<10240x128xf32, #tpu.memory_space<vmem_shared>> -> memref<128x128xf32, #tpu.memory_space<vmem_shared>>
      %dma_wait3A_31 = arith.constant 0 : i32
      %dma_wait3A_32 = tpu.memref_slice %arg6[%add3A_8, %dma_wait3A_31] : memref<10240x128xf32, #tpu.memory_space<vmem_shared>> -> memref<128x128xf32, #tpu.memory_space<vmem_shared>>
      tpu.wait_dma2 semaphore(%run_scoped3A : memref<!tpu.dma_semaphore, #tpu.memory_space<semaphore_mem>>) src(%arg9 : memref<128x128xf32, #tpu.memory_space<vmem>>) dst(%dma_wait3A_32 : memref<128x128xf32, #tpu.memory_space<vmem_shared>>)
      tpu.yield
    }) : () -> ()
    %add3A_9 = arith.constant 128 : i32
    %add3A_10 = arith.addi %mul3A_7, %add3A_9 : i32
    "tpu.region"() ({
      %run_scoped3A = tpu.sem_alloc : memref<!tpu.dma_semaphore, #tpu.memory_space<semaphore_mem>>
      %dma_start3A = arith.constant 0 : i32
      %dma_start3A_27 = tpu.memref_slice %arg6[%add3A_10, %dma_start3A] : memref<10240x128xf32, #tpu.memory_space<vmem_shared>> -> memref<128x128xf32, #tpu.memory_space<vmem_shared>>
      %dma_start3A_28 = arith.constant 0 : i32
      %dma_start3A_29 = tpu.memref_slice %arg6[%add3A_10, %dma_start3A_28] : memref<10240x128xf32, #tpu.memory_space<vmem_shared>> -> memref<128x128xf32, #tpu.memory_space<vmem_shared>>
      tpu.enqueue_dma source(%arg9 : memref<128x128xf32, #tpu.memory_space<vmem>>) target(%dma_start3A_29 : memref<128x128xf32, #tpu.memory_space<vmem_shared>>) target_semaphore(%run_scoped3A : memref<!tpu.dma_semaphore, #tpu.memory_space<semaphore_mem>>)
      %dma_wait3A = arith.constant 0 : i32
      %dma_wait3A_30 = tpu.memref_slice %arg6[%add3A_10, %dma_wait3A] : memref<10240x128xf32, #tpu.memory_space<vmem_shared>> -> memref<128x128xf32, #tpu.memory_space<vmem_shared>>
      %dma_wait3A_31 = arith.constant 0 : i32
      %dma_wait3A_32 = tpu.memref_slice %arg6[%add3A_10, %dma_wait3A_31] : memref<10240x128xf32, #tpu.memory_space<vmem_shared>> -> memref<128x128xf32, #tpu.memory_space<vmem_shared>>
      tpu.wait_dma2 semaphore(%run_scoped3A : memref<!tpu.dma_semaphore, #tpu.memory_space<semaphore_mem>>) src(%arg9 : memref<128x128xf32, #tpu.memory_space<vmem>>) dst(%dma_wait3A_32 : memref<128x128xf32, #tpu.memory_space<vmem_shared>>)
      tpu.yield
    }) : () -> ()
    %add3A_11 = arith.constant 256 : i32
    %add3A_12 = arith.addi %mul3A_7, %add3A_11 : i32
    "tpu.region"() ({
      %run_scoped3A = tpu.sem_alloc : memref<!tpu.dma_semaphore, #tpu.memory_space<semaphore_mem>>
      %dma_start3A = arith.constant 0 : i32
      %dma_start3A_27 = tpu.memref_slice %arg6[%add3A_12, %dma_start3A] : memref<10240x128xf32, #tpu.memory_space<vmem_shared>> -> memref<128x128xf32, #tpu.memory_space<vmem_shared>>
      %dma_start3A_28 = arith.constant 0 : i32
      %dma_start3A_29 = tpu.memref_slice %arg6[%add3A_12, %dma_start3A_28] : memref<10240x128xf32, #tpu.memory_space<vmem_shared>> -> memref<128x128xf32, #tpu.memory_space<vmem_shared>>
      tpu.enqueue_dma source(%arg9 : memref<128x128xf32, #tpu.memory_space<vmem>>) target(%dma_start3A_29 : memref<128x128xf32, #tpu.memory_space<vmem_shared>>) target_semaphore(%run_scoped3A : memref<!tpu.dma_semaphore, #tpu.memory_space<semaphore_mem>>)
      %dma_wait3A = arith.constant 0 : i32
      %dma_wait3A_30 = tpu.memref_slice %arg6[%add3A_12, %dma_wait3A] : memref<10240x128xf32, #tpu.memory_space<vmem_shared>> -> memref<128x128xf32, #tpu.memory_space<vmem_shared>>
      %dma_wait3A_31 = arith.constant 0 : i32
      %dma_wait3A_32 = tpu.memref_slice %arg6[%add3A_12, %dma_wait3A_31] : memref<10240x128xf32, #tpu.memory_space<vmem_shared>> -> memref<128x128xf32, #tpu.memory_space<vmem_shared>>
      tpu.wait_dma2 semaphore(%run_scoped3A : memref<!tpu.dma_semaphore, #tpu.memory_space<semaphore_mem>>) src(%arg9 : memref<128x128xf32, #tpu.memory_space<vmem>>) dst(%dma_wait3A_32 : memref<128x128xf32, #tpu.memory_space<vmem_shared>>)
      tpu.yield
    }) : () -> ()
    %add3A_13 = arith.constant 384 : i32
    %add3A_14 = arith.addi %mul3A_7, %add3A_13 : i32
    "tpu.region"() ({
      %run_scoped3A = tpu.sem_alloc : memref<!tpu.dma_semaphore, #tpu.memory_space<semaphore_mem>>
      %dma_start3A = arith.constant 0 : i32
      %dma_start3A_27 = tpu.memref_slice %arg6[%add3A_14, %dma_start3A] : memref<10240x128xf32, #tpu.memory_space<vmem_shared>> -> memref<128x128xf32, #tpu.memory_space<vmem_shared>>
      %dma_start3A_28 = arith.constant 0 : i32
      %dma_start3A_29 = tpu.memref_slice %arg6[%add3A_14, %dma_start3A_28] : memref<10240x128xf32, #tpu.memory_space<vmem_shared>> -> memref<128x128xf32, #tpu.memory_space<vmem_shared>>
      tpu.enqueue_dma source(%arg9 : memref<128x128xf32, #tpu.memory_space<vmem>>) target(%dma_start3A_29 : memref<128x128xf32, #tpu.memory_space<vmem_shared>>) target_semaphore(%run_scoped3A : memref<!tpu.dma_semaphore, #tpu.memory_space<semaphore_mem>>)
      %dma_wait3A = arith.constant 0 : i32
      %dma_wait3A_30 = tpu.memref_slice %arg6[%add3A_14, %dma_wait3A] : memref<10240x128xf32, #tpu.memory_space<vmem_shared>> -> memref<128x128xf32, #tpu.memory_space<vmem_shared>>
      %dma_wait3A_31 = arith.constant 0 : i32
      %dma_wait3A_32 = tpu.memref_slice %arg6[%add3A_14, %dma_wait3A_31] : memref<10240x128xf32, #tpu.memory_space<vmem_shared>> -> memref<128x128xf32, #tpu.memory_space<vmem_shared>>
      tpu.wait_dma2 semaphore(%run_scoped3A : memref<!tpu.dma_semaphore, #tpu.memory_space<semaphore_mem>>) src(%arg9 : memref<128x128xf32, #tpu.memory_space<vmem>>) dst(%dma_wait3A_32 : memref<128x128xf32, #tpu.memory_space<vmem_shared>>)
      tpu.yield
    }) : () -> ()
    %add3A_15 = arith.constant 512 : i32
    %add3A_16 = arith.addi %mul3A_7, %add3A_15 : i32
    "tpu.region"() ({
      %run_scoped3A = tpu.sem_alloc : memref<!tpu.dma_semaphore, #tpu.memory_space<semaphore_mem>>
      %dma_start3A = arith.constant 0 : i32
      %dma_start3A_27 = tpu.memref_slice %arg6[%add3A_16, %dma_start3A] : memref<10240x128xf32, #tpu.memory_space<vmem_shared>> -> memref<128x128xf32, #tpu.memory_space<vmem_shared>>
      %dma_start3A_28 = arith.constant 0 : i32
      %dma_start3A_29 = tpu.memref_slice %arg6[%add3A_16, %dma_start3A_28] : memref<10240x128xf32, #tpu.memory_space<vmem_shared>> -> memref<128x128xf32, #tpu.memory_space<vmem_shared>>
      tpu.enqueue_dma source(%arg9 : memref<128x128xf32, #tpu.memory_space<vmem>>) target(%dma_start3A_29 : memref<128x128xf32, #tpu.memory_space<vmem_shared>>) target_semaphore(%run_scoped3A : memref<!tpu.dma_semaphore, #tpu.memory_space<semaphore_mem>>)
      %dma_wait3A = arith.constant 0 : i32
      %dma_wait3A_30 = tpu.memref_slice %arg6[%add3A_16, %dma_wait3A] : memref<10240x128xf32, #tpu.memory_space<vmem_shared>> -> memref<128x128xf32, #tpu.memory_space<vmem_shared>>
      %dma_wait3A_31 = arith.constant 0 : i32
      %dma_wait3A_32 = tpu.memref_slice %arg6[%add3A_16, %dma_wait3A_31] : memref<10240x128xf32, #tpu.memory_space<vmem_shared>> -> memref<128x128xf32, #tpu.memory_space<vmem_shared>>
      tpu.wait_dma2 semaphore(%run_scoped3A : memref<!tpu.dma_semaphore, #tpu.memory_space<semaphore_mem>>) src(%arg9 : memref<128x128xf32, #tpu.memory_space<vmem>>) dst(%dma_wait3A_32 : memref<128x128xf32, #tpu.memory_space<vmem_shared>>)
      tpu.yield
    }) : () -> ()
    "tpu.region"() ({
      %run_scoped3A = tpu.sem_alloc : memref<!tpu.dma_semaphore, #tpu.memory_space<semaphore_mem>>
      %dma_start3A = arith.constant 0 : i32
      %dma_start3A_27 = arith.constant 0 : i32
      %dma_start3A_28 = arith.constant 0 : i32
      %dma_start3A_29 = tpu.memref_slice %arg3[%arg0, %dma_start3A, %dma_start3A_27, %dma_start3A_28] : memref<2x16x97x128xi32, #tpu.memory_space<hbm>> -> memref<1x16x97x128xi32, #tpu.memory_space<hbm>>
      %dma_start3A_30 = tpu.memref_squeeze %dma_start3A_29 : memref<1x16x97x128xi32, #tpu.memory_space<hbm>> -> memref<16x97x128xi32, #tpu.memory_space<hbm>>
      %dma_start3A_31 = arith.constant 0 : i32
      %dma_start3A_32 = arith.constant 0 : i32
      %dma_start3A_33 = tpu.memref_slice %dma_start3A_30[%arg1, %dma_start3A_31, %dma_start3A_32] : memref<16x97x128xi32, #tpu.memory_space<hbm>> -> memref<1x97x128xi32, #tpu.memory_space<hbm>>
      %dma_start3A_34 = tpu.memref_squeeze %dma_start3A_33 : memref<1x97x128xi32, #tpu.memory_space<hbm>> -> memref<97x128xi32, #tpu.memory_space<hbm>>
      %dma_start3A_35 = arith.constant 0 : i32
      %dma_start3A_36 = arith.constant 0 : i32
      %dma_start3A_37 = arith.constant 0 : i32
      %dma_start3A_38 = tpu.memref_slice %arg3[%arg0, %dma_start3A_35, %dma_start3A_36, %dma_start3A_37] : memref<2x16x97x128xi32, #tpu.memory_space<hbm>> -> memref<1x16x97x128xi32, #tpu.memory_space<hbm>>
      %dma_start3A_39 = tpu.memref_squeeze %dma_start3A_38 : memref<1x16x97x128xi32, #tpu.memory_space<hbm>> -> memref<16x97x128xi32, #tpu.memory_space<hbm>>
      %dma_start3A_40 = arith.constant 0 : i32
      %dma_start3A_41 = arith.constant 0 : i32
      %dma_start3A_42 = tpu.memref_slice %dma_start3A_39[%arg1, %dma_start3A_40, %dma_start3A_41] : memref<16x97x128xi32, #tpu.memory_space<hbm>> -> memref<1x97x128xi32, #tpu.memory_space<hbm>>
      %dma_start3A_43 = tpu.memref_squeeze %dma_start3A_42 : memref<1x97x128xi32, #tpu.memory_space<hbm>> -> memref<97x128xi32, #tpu.memory_space<hbm>>
      tpu.enqueue_dma source(%dma_start3A_43 : memref<97x128xi32, #tpu.memory_space<hbm>>) target(%arg7 : memref<97x128xi32, #tpu.memory_space<vmem>>) target_semaphore(%run_scoped3A : memref<!tpu.dma_semaphore, #tpu.memory_space<semaphore_mem>>)
      %dma_wait3A = arith.constant 0 : i32
      %dma_wait3A_44 = arith.constant 0 : i32
      %dma_wait3A_45 = arith.constant 0 : i32
      %dma_wait3A_46 = tpu.memref_slice %arg3[%arg0, %dma_wait3A, %dma_wait3A_44, %dma_wait3A_45] : memref<2x16x97x128xi32, #tpu.memory_space<hbm>> -> memref<1x16x97x128xi32, #tpu.memory_space<hbm>>
      %dma_wait3A_47 = tpu.memref_squeeze %dma_wait3A_46 : memref<1x16x97x128xi32, #tpu.memory_space<hbm>> -> memref<16x97x128xi32, #tpu.memory_space<hbm>>
      %dma_wait3A_48 = arith.constant 0 : i32
      %dma_wait3A_49 = arith.constant 0 : i32
      %dma_wait3A_50 = tpu.memref_slice %dma_wait3A_47[%arg1, %dma_wait3A_48, %dma_wait3A_49] : memref<16x97x128xi32, #tpu.memory_space<hbm>> -> memref<1x97x128xi32, #tpu.memory_space<hbm>>
      %dma_wait3A_51 = tpu.memref_squeeze %dma_wait3A_50 : memref<1x97x128xi32, #tpu.memory_space<hbm>> -> memref<97x128xi32, #tpu.memory_space<hbm>>
      %dma_wait3A_52 = arith.constant 0 : i32
      %dma_wait3A_53 = arith.constant 0 : i32
      %dma_wait3A_54 = arith.constant 0 : i32
      %dma_wait3A_55 = tpu.memref_slice %arg3[%arg0, %dma_wait3A_52, %dma_wait3A_53, %dma_wait3A_54] : memref<2x16x97x128xi32, #tpu.memory_space<hbm>> -> memref<1x16x97x128xi32, #tpu.memory_space<hbm>>
      %dma_wait3A_56 = tpu.memref_squeeze %dma_wait3A_55 : memref<1x16x97x128xi32, #tpu.memory_space<hbm>> -> memref<16x97x128xi32, #tpu.memory_space<hbm>>
      %dma_wait3A_57 = arith.constant 0 : i32
      %dma_wait3A_58 = arith.constant 0 : i32
      %dma_wait3A_59 = tpu.memref_slice %dma_wait3A_56[%arg1, %dma_wait3A_57, %dma_wait3A_58] : memref<16x97x128xi32, #tpu.memory_space<hbm>> -> memref<1x97x128xi32, #tpu.memory_space<hbm>>
      %dma_wait3A_60 = tpu.memref_squeeze %dma_wait3A_59 : memref<1x97x128xi32, #tpu.memory_space<hbm>> -> memref<97x128xi32, #tpu.memory_space<hbm>>
      tpu.wait_dma2 semaphore(%run_scoped3A : memref<!tpu.dma_semaphore, #tpu.memory_space<semaphore_mem>>) src(%dma_wait3A_60 : memref<97x128xi32, #tpu.memory_space<hbm>>) dst(%arg7 : memref<97x128xi32, #tpu.memory_space<vmem>>)
      tpu.yield
    }) : () -> ()
    "tpu.region"() ({
      %run_scoped3A = tpu.sem_alloc : memref<!tpu.dma_semaphore, #tpu.memory_space<semaphore_mem>>
      %dma_start3A = arith.constant 0 : i32
      %dma_start3A_27 = arith.constant 0 : i32
      %dma_start3A_28 = arith.constant 0 : i32
      %dma_start3A_29 = tpu.memref_slice %arg4[%arg0, %dma_start3A, %dma_start3A_27, %dma_start3A_28] : memref<2x16x97x128xi32, #tpu.memory_space<hbm>> -> memref<1x16x97x128xi32, #tpu.memory_space<hbm>>
      %dma_start3A_30 = tpu.memref_squeeze %dma_start3A_29 : memref<1x16x97x128xi32, #tpu.memory_space<hbm>> -> memref<16x97x128xi32, #tpu.memory_space<hbm>>
      %dma_start3A_31 = arith.constant 0 : i32
      %dma_start3A_32 = arith.constant 0 : i32
      %dma_start3A_33 = tpu.memref_slice %dma_start3A_30[%arg1, %dma_start3A_31, %dma_start3A_32] : memref<16x97x128xi32, #tpu.memory_space<hbm>> -> memref<1x97x128xi32, #tpu.memory_space<hbm>>
      %dma_start3A_34 = tpu.memref_squeeze %dma_start3A_33 : memref<1x97x128xi32, #tpu.memory_space<hbm>> -> memref<97x128xi32, #tpu.memory_space<hbm>>
      %dma_start3A_35 = arith.constant 0 : i32
      %dma_start3A_36 = arith.constant 0 : i32
      %dma_start3A_37 = arith.constant 0 : i32
      %dma_start3A_38 = tpu.memref_slice %arg4[%arg0, %dma_start3A_35, %dma_start3A_36, %dma_start3A_37] : memref<2x16x97x128xi32, #tpu.memory_space<hbm>> -> memref<1x16x97x128xi32, #tpu.memory_space<hbm>>
      %dma_start3A_39 = tpu.memref_squeeze %dma_start3A_38 : memref<1x16x97x128xi32, #tpu.memory_space<hbm>> -> memref<16x97x128xi32, #tpu.memory_space<hbm>>
      %dma_start3A_40 = arith.constant 0 : i32
      %dma_start3A_41 = arith.constant 0 : i32
      %dma_start3A_42 = tpu.memref_slice %dma_start3A_39[%arg1, %dma_start3A_40, %dma_start3A_41] : memref<16x97x128xi32, #tpu.memory_space<hbm>> -> memref<1x97x128xi32, #tpu.memory_space<hbm>>
      %dma_start3A_43 = tpu.memref_squeeze %dma_start3A_42 : memref<1x97x128xi32, #tpu.memory_space<hbm>> -> memref<97x128xi32, #tpu.memory_space<hbm>>
      tpu.enqueue_dma source(%dma_start3A_43 : memref<97x128xi32, #tpu.memory_space<hbm>>) target(%arg8 : memref<97x128xi32, #tpu.memory_space<vmem>>) target_semaphore(%run_scoped3A : memref<!tpu.dma_semaphore, #tpu.memory_space<semaphore_mem>>)
      %dma_wait3A = arith.constant 0 : i32
      %dma_wait3A_44 = arith.constant 0 : i32
      %dma_wait3A_45 = arith.constant 0 : i32
      %dma_wait3A_46 = tpu.memref_slice %arg4[%arg0, %dma_wait3A, %dma_wait3A_44, %dma_wait3A_45] : memref<2x16x97x128xi32, #tpu.memory_space<hbm>> -> memref<1x16x97x128xi32, #tpu.memory_space<hbm>>
      %dma_wait3A_47 = tpu.memref_squeeze %dma_wait3A_46 : memref<1x16x97x128xi32, #tpu.memory_space<hbm>> -> memref<16x97x128xi32, #tpu.memory_space<hbm>>
      %dma_wait3A_48 = arith.constant 0 : i32
      %dma_wait3A_49 = arith.constant 0 : i32
      %dma_wait3A_50 = tpu.memref_slice %dma_wait3A_47[%arg1, %dma_wait3A_48, %dma_wait3A_49] : memref<16x97x128xi32, #tpu.memory_space<hbm>> -> memref<1x97x128xi32, #tpu.memory_space<hbm>>
      %dma_wait3A_51 = tpu.memref_squeeze %dma_wait3A_50 : memref<1x97x128xi32, #tpu.memory_space<hbm>> -> memref<97x128xi32, #tpu.memory_space<hbm>>
      %dma_wait3A_52 = arith.constant 0 : i32
      %dma_wait3A_53 = arith.constant 0 : i32
      %dma_wait3A_54 = arith.constant 0 : i32
      %dma_wait3A_55 = tpu.memref_slice %arg4[%arg0, %dma_wait3A_52, %dma_wait3A_53, %dma_wait3A_54] : memref<2x16x97x128xi32, #tpu.memory_space<hbm>> -> memref<1x16x97x128xi32, #tpu.memory_space<hbm>>
      %dma_wait3A_56 = tpu.memref_squeeze %dma_wait3A_55 : memref<1x16x97x128xi32, #tpu.memory_space<hbm>> -> memref<16x97x128xi32, #tpu.memory_space<hbm>>
      %dma_wait3A_57 = arith.constant 0 : i32
      %dma_wait3A_58 = arith.constant 0 : i32
      %dma_wait3A_59 = tpu.memref_slice %dma_wait3A_56[%arg1, %dma_wait3A_57, %dma_wait3A_58] : memref<16x97x128xi32, #tpu.memory_space<hbm>> -> memref<1x97x128xi32, #tpu.memory_space<hbm>>
      %dma_wait3A_60 = tpu.memref_squeeze %dma_wait3A_59 : memref<1x97x128xi32, #tpu.memory_space<hbm>> -> memref<97x128xi32, #tpu.memory_space<hbm>>
      tpu.wait_dma2 semaphore(%run_scoped3A : memref<!tpu.dma_semaphore, #tpu.memory_space<semaphore_mem>>) src(%dma_wait3A_60 : memref<97x128xi32, #tpu.memory_space<hbm>>) dst(%arg8 : memref<97x128xi32, #tpu.memory_space<vmem>>)
      tpu.yield
    }) : () -> ()
    %barrier3A = arith.constant 0 : index
    tpu.barrier barrier_id(%barrier3A)
    %while3A = arith.constant 0 : i32
    %while3A_17 = arith.constant 0 : i32
    %while3A_18 = arith.subi %select_n3A, %while3A_17 : i32
    %while3A_19 = arith.addi %while3A_17, %while3A_18 : i32
    %while3A_20 = arith.constant 1 : i32
    %while3A_21 = arith.divsi %while3A_18, %while3A_20 : i32
    %while3A_22 = arith.muli %while3A_21, %while3A_20 : i32
    %while3A_23 = arith.addi %while3A_17, %while3A_22 : i32
    %while3A_24 = arith.constant 1 : i32
    scf.for %while3A_27 = %while3A_17 to %while3A_23 step %while3A_24  : i32 {
      %dma_start3A = arith.constant 0 : i32
      %dma_start3A_28 = tpu.memref_slice %arg7[%while3A_27, %dma_start3A] : memref<97x128xi32, #tpu.memory_space<vmem>> -> memref<1x128xi32, #tpu.memory_space<vmem>>
      %dma_start3A_29 = tpu.memref_squeeze %dma_start3A_28 : memref<1x128xi32, #tpu.memory_space<vmem>> -> memref<128xi32, #tpu.memory_space<vmem>>
      %dma_start3A_30 = arith.constant 0 : i32
      %dma_start3A_31 = arith.constant 0 : i32
      %dma_start3A_32 = tpu.memref_slice %arg2[%dma_start3A_30, %dma_start3A_31] : memref<10240x128xf32, #tpu.memory_space<hbm>> -> memref<10240x128xf32, #tpu.memory_space<hbm>>
      tpu.enqueue_indirect_dma source(%dma_start3A_32 : memref<10240x128xf32, #tpu.memory_space<hbm>>) target(%arg9 : memref<128x128xf32, #tpu.memory_space<vmem>>) offsets(%dma_start3A_29 : memref<128xi32, #tpu.memory_space<vmem>>) semaphore(%arg10 : memref<!tpu.dma_semaphore, #tpu.memory_space<semaphore_mem>>)
      %dma_wait3A = arith.constant 0 : i32
      %dma_wait3A_33 = tpu.memref_slice %arg7[%while3A_27, %dma_wait3A] : memref<97x128xi32, #tpu.memory_space<vmem>> -> memref<1x128xi32, #tpu.memory_space<vmem>>
      %dma_wait3A_34 = tpu.memref_squeeze %dma_wait3A_33 : memref<1x128xi32, #tpu.memory_space<vmem>> -> memref<128xi32, #tpu.memory_space<vmem>>
      %dma_wait3A_35 = arith.constant 0 : i32
      %dma_wait3A_36 = arith.constant 0 : i32
      %dma_wait3A_37 = tpu.memref_slice %arg2[%dma_wait3A_35, %dma_wait3A_36] : memref<10240x128xf32, #tpu.memory_space<hbm>> -> memref<10240x128xf32, #tpu.memory_space<hbm>>
      tpu.wait_indirect_dma semaphore(%arg10 : memref<!tpu.dma_semaphore, #tpu.memory_space<semaphore_mem>>) src(%dma_wait3A_37 : memref<10240x128xf32, #tpu.memory_space<hbm>>) dst(%arg9 : memref<128x128xf32, #tpu.memory_space<vmem>>)
      "tpu.region"() ({
        %run_scoped3A = tpu.sem_alloc : memref<!tpu.dma_semaphore, #tpu.memory_space<semaphore_mem>>
        %dma_start3A_38 = arith.constant 0 : i32
        %dma_start3A_39 = tpu.memref_slice %arg8[%while3A_27, %dma_start3A_38] : memref<97x128xi32, #tpu.memory_space<vmem>> -> memref<1x128xi32, #tpu.memory_space<vmem>>
        %dma_start3A_40 = tpu.memref_squeeze %dma_start3A_39 : memref<1x128xi32, #tpu.memory_space<vmem>> -> memref<128xi32, #tpu.memory_space<vmem>>
        %dma_start3A_41 = arith.constant 0 : i32
        %dma_start3A_42 = arith.constant 0 : i32
        %dma_start3A_43 = tpu.memref_slice %arg6[%dma_start3A_41, %dma_start3A_42] : memref<10240x128xf32, #tpu.memory_space<vmem_shared>> -> memref<10240x128xf32, #tpu.memory_space<vmem_shared>>
        tpu.enqueue_indirect_dma source(%arg9 : memref<128x128xf32, #tpu.memory_space<vmem>>) target(%dma_start3A_43 : memref<10240x128xf32, #tpu.memory_space<vmem_shared>>) offsets(%dma_start3A_40 : memref<128xi32, #tpu.memory_space<vmem>>) semaphore(%run_scoped3A : memref<!tpu.dma_semaphore, #tpu.memory_space<semaphore_mem>>) {add = true}
        %dma_wait3A_44 = arith.constant 0 : i32
        %dma_wait3A_45 = tpu.memref_slice %arg8[%while3A_27, %dma_wait3A_44] : memref<97x128xi32, #tpu.memory_space<vmem>> -> memref<1x128xi32, #tpu.memory_space<vmem>>
        %dma_wait3A_46 = tpu.memref_squeeze %dma_wait3A_45 : memref<1x128xi32, #tpu.memory_space<vmem>> -> memref<128xi32, #tpu.memory_space<vmem>>
        %dma_wait3A_47 = arith.constant 0 : i32
        %dma_wait3A_48 = arith.constant 0 : i32
        %dma_wait3A_49 = tpu.memref_slice %arg6[%dma_wait3A_47, %dma_wait3A_48] : memref<10240x128xf32, #tpu.memory_space<vmem_shared>> -> memref<10240x128xf32, #tpu.memory_space<vmem_shared>>
        tpu.wait_indirect_dma semaphore(%run_scoped3A : memref<!tpu.dma_semaphore, #tpu.memory_space<semaphore_mem>>) src(%arg9 : memref<128x128xf32, #tpu.memory_space<vmem>>) dst(%dma_wait3A_49 : memref<10240x128xf32, #tpu.memory_space<vmem_shared>>)
        tpu.yield
      }) : () -> ()
    }
    %while3A_25 = arith.constant 1 : i32
    scf.for %while3A_27 = %while3A_23 to %while3A_19 step %while3A_25  : i32 {
      %dma_start3A = arith.constant 0 : i32
      %dma_start3A_28 = tpu.memref_slice %arg7[%while3A_27, %dma_start3A] : memref<97x128xi32, #tpu.memory_space<vmem>> -> memref<1x128xi32, #tpu.memory_space<vmem>>
      %dma_start3A_29 = tpu.memref_squeeze %dma_start3A_28 : memref<1x128xi32, #tpu.memory_space<vmem>> -> memref<128xi32, #tpu.memory_space<vmem>>
      %dma_start3A_30 = arith.constant 0 : i32
      %dma_start3A_31 = arith.constant 0 : i32
      %dma_start3A_32 = tpu.memref_slice %arg2[%dma_start3A_30, %dma_start3A_31] : memref<10240x128xf32, #tpu.memory_space<hbm>> -> memref<10240x128xf32, #tpu.memory_space<hbm>>
      tpu.enqueue_indirect_dma source(%dma_start3A_32 : memref<10240x128xf32, #tpu.memory_space<hbm>>) target(%arg9 : memref<128x128xf32, #tpu.memory_space<vmem>>) offsets(%dma_start3A_29 : memref<128xi32, #tpu.memory_space<vmem>>) semaphore(%arg10 : memref<!tpu.dma_semaphore, #tpu.memory_space<semaphore_mem>>)
      %dma_wait3A = arith.constant 0 : i32
      %dma_wait3A_33 = tpu.memref_slice %arg7[%while3A_27, %dma_wait3A] : memref<97x128xi32, #tpu.memory_space<vmem>> -> memref<1x128xi32, #tpu.memory_space<vmem>>
      %dma_wait3A_34 = tpu.memref_squeeze %dma_wait3A_33 : memref<1x128xi32, #tpu.memory_space<vmem>> -> memref<128xi32, #tpu.memory_space<vmem>>
      %dma_wait3A_35 = arith.constant 0 : i32
      %dma_wait3A_36 = arith.constant 0 : i32
      %dma_wait3A_37 = tpu.memref_slice %arg2[%dma_wait3A_35, %dma_wait3A_36] : memref<10240x128xf32, #tpu.memory_space<hbm>> -> memref<10240x128xf32, #tpu.memory_space<hbm>>
      tpu.wait_indirect_dma semaphore(%arg10 : memref<!tpu.dma_semaphore, #tpu.memory_space<semaphore_mem>>) src(%dma_wait3A_37 : memref<10240x128xf32, #tpu.memory_space<hbm>>) dst(%arg9 : memref<128x128xf32, #tpu.memory_space<vmem>>)
      "tpu.region"() ({
        %run_scoped3A = tpu.sem_alloc : memref<!tpu.dma_semaphore, #tpu.memory_space<semaphore_mem>>
        %dma_start3A_38 = arith.constant 0 : i32
        %dma_start3A_39 = tpu.memref_slice %arg8[%while3A_27, %dma_start3A_38] : memref<97x128xi32, #tpu.memory_space<vmem>> -> memref<1x128xi32, #tpu.memory_space<vmem>>
        %dma_start3A_40 = tpu.memref_squeeze %dma_start3A_39 : memref<1x128xi32, #tpu.memory_space<vmem>> -> memref<128xi32, #tpu.memory_space<vmem>>
        %dma_start3A_41 = arith.constant 0 : i32
        %dma_start3A_42 = arith.constant 0 : i32
        %dma_start3A_43 = tpu.memref_slice %arg6[%dma_start3A_41, %dma_start3A_42] : memref<10240x128xf32, #tpu.memory_space<vmem_shared>> -> memref<10240x128xf32, #tpu.memory_space<vmem_shared>>
        tpu.enqueue_indirect_dma source(%arg9 : memref<128x128xf32, #tpu.memory_space<vmem>>) target(%dma_start3A_43 : memref<10240x128xf32, #tpu.memory_space<vmem_shared>>) offsets(%dma_start3A_40 : memref<128xi32, #tpu.memory_space<vmem>>) semaphore(%run_scoped3A : memref<!tpu.dma_semaphore, #tpu.memory_space<semaphore_mem>>) {add = true}
        %dma_wait3A_44 = arith.constant 0 : i32
        %dma_wait3A_45 = tpu.memref_slice %arg8[%while3A_27, %dma_wait3A_44] : memref<97x128xi32, #tpu.memory_space<vmem>> -> memref<1x128xi32, #tpu.memory_space<vmem>>
        %dma_wait3A_46 = tpu.memref_squeeze %dma_wait3A_45 : memref<1x128xi32, #tpu.memory_space<vmem>> -> memref<128xi32, #tpu.memory_space<vmem>>
        %dma_wait3A_47 = arith.constant 0 : i32
        %dma_wait3A_48 = arith.constant 0 : i32
        %dma_wait3A_49 = tpu.memref_slice %arg6[%dma_wait3A_47, %dma_wait3A_48] : memref<10240x128xf32, #tpu.memory_space<vmem_shared>> -> memref<10240x128xf32, #tpu.memory_space<vmem_shared>>
        tpu.wait_indirect_dma semaphore(%run_scoped3A : memref<!tpu.dma_semaphore, #tpu.memory_space<semaphore_mem>>) src(%arg9 : memref<128x128xf32, #tpu.memory_space<vmem>>) dst(%dma_wait3A_49 : memref<10240x128xf32, #tpu.memory_space<vmem_shared>>)
        tpu.yield
      }) : () -> ()
    }
    %barrier3A_26 = arith.constant 0 : index
    tpu.barrier barrier_id(%barrier3A_26)
    "tpu.region"() ({
      %run_scoped3A = tpu.sem_alloc : memref<!tpu.dma_semaphore, #tpu.memory_space<semaphore_mem>>
      %dma_start3A = arith.constant 0 : i32
      %dma_start3A_27 = arith.constant 0 : i32
      %dma_start3A_28 = tpu.memref_slice %arg5[%arg0, %dma_start3A, %dma_start3A_27] : memref<2x10240x128xf32, #tpu.memory_space<hbm>> -> memref<1x10240x128xf32, #tpu.memory_space<hbm>>
      %dma_start3A_29 = tpu.memref_squeeze %dma_start3A_28 : memref<1x10240x128xf32, #tpu.memory_space<hbm>> -> memref<10240x128xf32, #tpu.memory_space<hbm>>
      %dma_start3A_30 = arith.constant 0 : i32
      %dma_start3A_31 = tpu.memref_slice %dma_start3A_29[%mul3A_7, %dma_start3A_30] : memref<10240x128xf32, #tpu.memory_space<hbm>> -> memref<640x128xf32, #tpu.memory_space<hbm>>
      %dma_start3A_32 = arith.constant 0 : i32
      %dma_start3A_33 = tpu.memref_slice %arg6[%mul3A_7, %dma_start3A_32] : memref<10240x128xf32, #tpu.memory_space<vmem_shared>> -> memref<640x128xf32, #tpu.memory_space<vmem_shared>>
      tpu.enqueue_dma source(%dma_start3A_33 : memref<640x128xf32, #tpu.memory_space<vmem_shared>>) target(%dma_start3A_31 : memref<640x128xf32, #tpu.memory_space<hbm>>) target_semaphore(%run_scoped3A : memref<!tpu.dma_semaphore, #tpu.memory_space<semaphore_mem>>)
      %dma_wait3A = arith.constant 0 : i32
      %dma_wait3A_34 = arith.constant 0 : i32
      %dma_wait3A_35 = tpu.memref_slice %arg5[%arg0, %dma_wait3A, %dma_wait3A_34] : memref<2x10240x128xf32, #tpu.memory_space<hbm>> -> memref<1x10240x128xf32, #tpu.memory_space<hbm>>
      %dma_wait3A_36 = tpu.memref_squeeze %dma_wait3A_35 : memref<1x10240x128xf32, #tpu.memory_space<hbm>> -> memref<10240x128xf32, #tpu.memory_space<hbm>>
      %dma_wait3A_37 = arith.constant 0 : i32
      %dma_wait3A_38 = tpu.memref_slice %dma_wait3A_36[%mul3A_7, %dma_wait3A_37] : memref<10240x128xf32, #tpu.memory_space<hbm>> -> memref<640x128xf32, #tpu.memory_space<hbm>>
      %dma_wait3A_39 = arith.constant 0 : i32
      %dma_wait3A_40 = tpu.memref_slice %arg6[%mul3A_7, %dma_wait3A_39] : memref<10240x128xf32, #tpu.memory_space<vmem_shared>> -> memref<640x128xf32, #tpu.memory_space<vmem_shared>>
      tpu.wait_dma2 semaphore(%run_scoped3A : memref<!tpu.dma_semaphore, #tpu.memory_space<semaphore_mem>>) src(%dma_wait3A_40 : memref<640x128xf32, #tpu.memory_space<vmem_shared>>) dst(%dma_wait3A_38 : memref<640x128xf32, #tpu.memory_space<hbm>>)
      tpu.yield
    }) : () -> ()
    return
  }
}

module attributes {stable_mosaic.version = 14 : i64} {
  func.func @_mm1_body(%arg0: i32, %arg1: memref<512x128xf32, #tpu.memory_space<vmem>>, %arg2: memref<2x512xf32, #tpu.memory_space<vmem>>, %arg3: memref<128x128xf32, #tpu.memory_space<vmem>>, %arg4: memref<512x128xf32, #tpu.memory_space<vmem>>, %arg5: memref<512xf32, #tpu.memory_space<vmem>>) attributes {dimension_semantics = [#tpu.dimension_semantics<arbitrary>], iteration_bounds = array<i64: 20>, scalar_prefetch = 0 : i64, scratch_operands = 0 : i64, tpu.core_type = #tpu.core_type<tc>, window_params = [{transform_indices = @transform_0, window_bounds = array<i64: 512, 128>}, {transform_indices = @transform_1, window_bounds = array<i64: 2, 512>}, {pipeline_mode = #tpu.pipeline_mode<synchronous>, transform_indices = @transform_2, window_bounds = array<i64: 128, 128>}, {transform_indices = @transform_3, window_bounds = array<i64: 512, 128>}, {transform_indices = @transform_4, window_bounds = array<i64: 512>}]} {
    %get3A = arith.constant 0 : index
    %get3A_0 = arith.constant 0 : index
    %get3A_1 = vector.load %arg1[%get3A, %get3A_0] : memref<512x128xf32, #tpu.memory_space<vmem>>, vector<512x128xf32>
    %get3A_2 = arith.constant 0 : index
    %get3A_3 = arith.constant 0 : index
    %get3A_4 = vector.load %arg3[%get3A_2, %get3A_3] : memref<128x128xf32, #tpu.memory_space<vmem>>, vector<128x128xf32>
    %dot_general3A = arith.constant dense<0.000000e+00> : vector<512x128xf32>
    %dot_general3A_5 = tpu.matmul %get3A_1, %get3A_4, %dot_general3A {dimension_numbers = #tpu.dot_dimension_numbers<[1], [0], [0], [1], [0, 0, 1, 1], [], []>, transpose_lhs_hint = false} : vector<512x128xf32>, vector<128x128xf32>, vector<512x128xf32> -> vector<512x128xf32>
    %get3A_6 = arith.constant 0 : index
    %get3A_7 = arith.constant 0 : index
    %get3A_8 = vector.load %arg2[%get3A_6, %get3A_7] : memref<2x512xf32, #tpu.memory_space<vmem>>, vector<1x512xf32>
    %get3A_9 = vector.shape_cast %get3A_8 : vector<1x512xf32> to vector<512xf32>
    %get3A_10 = arith.constant 1 : index
    %get3A_11 = arith.constant 0 : index
    %get3A_12 = vector.load %arg2[%get3A_10, %get3A_11] : memref<2x512xf32, #tpu.memory_space<vmem>>, vector<1x512xf32>
    %get3A_13 = vector.shape_cast %get3A_12 : vector<1x512xf32> to vector<512xf32>
    %add3A = arith.addf %get3A_9, %get3A_13 : vector<512xf32>
    %add3A_14 = arith.constant 1.000000e+00 : f32
    %add3A_15 = vector.broadcast %add3A_14 : f32 to vector<512xf32>
    %add3A_16 = arith.addf %add3A, %add3A_15 : vector<512xf32>
    %mul3A = arith.constant 512 : i32
    %mul3A_17 = arith.muli %arg0, %mul3A : i32
    %iota3A = tpu.iota {dimensions = array<i32: 1>} : vector<1x512xi32>
    %iota3A_18 = vector.shape_cast %iota3A : vector<1x512xi32> to vector<512xi32>
    %add3A_19 = vector.broadcast %mul3A_17 : i32 to vector<512xi32>
    %add3A_20 = arith.addi %add3A_19, %iota3A_18 : vector<512xi32>
    %lt3A = arith.constant 10000 : i32
    %lt3A_21 = vector.broadcast %lt3A : i32 to vector<512xi32>
    %lt3A_22 = arith.cmpi slt, %add3A_20, %lt3A_21 : vector<512xi32>
    %rsqrt3A = math.rsqrt %add3A_16 : vector<512xf32>
    %jit3A = arith.constant 0.000000e+00 : f32
    %broadcast_in_dim3A = vector.broadcast %jit3A : f32 to vector<512xf32>
    %select_n3A = arith.select %lt3A_22, %rsqrt3A, %broadcast_in_dim3A : vector<512xi1>, vector<512xf32>
    %broadcast_in_dim3A_23 = vector.shape_cast %select_n3A : vector<512xf32> to vector<512x1xf32>
    %mul3A_24 = vector.broadcast %broadcast_in_dim3A_23 : vector<512x1xf32> to vector<512x128xf32>
    %mul3A_25 = arith.mulf %dot_general3A_5, %mul3A_24 : vector<512x128xf32>
    %swap3A = arith.constant 0 : index
    %swap3A_26 = arith.constant 0 : index
    %swap3A_27 = vector.load %arg4[%swap3A, %swap3A_26] : memref<512x128xf32, #tpu.memory_space<vmem>>, vector<512x128xf32>
    tpu.vector_store %arg4[%swap3A, %swap3A_26], %mul3A_25 {strides = array<i32>} : memref<512x128xf32, #tpu.memory_space<vmem>>, vector<512x128xf32>,
    %swap3A_28 = arith.constant 0 : index
    %swap3A_29 = vector.load %arg5[%swap3A_28] : memref<512xf32, #tpu.memory_space<vmem>>, vector<512xf32>
    tpu.vector_store %arg5[%swap3A_28], %select_n3A {strides = array<i32>} : memref<512xf32, #tpu.memory_space<vmem>>, vector<512xf32>,
    return
  }
  func.func @transform_0(%arg0: i32) -> (i32, i32) {
    %c0_i32 = arith.constant 0 : i32
    %c0_i32_0 = arith.constant 0 : i32
    return %arg0, %c0_i32 : i32, i32
  }
  func.func @transform_1(%arg0: i32) -> (i32, i32) {
    %c0_i32 = arith.constant 0 : i32
    %c0_i32_0 = arith.constant 0 : i32
    return %c0_i32, %arg0 : i32, i32
  }
  func.func @transform_2(%arg0: i32) -> (i32, i32) {
    %c0_i32 = arith.constant 0 : i32
    %c0_i32_0 = arith.constant 0 : i32
    %c0_i32_1 = arith.constant 0 : i32
    return %c0_i32, %c0_i32_0 : i32, i32
  }
  func.func @transform_3(%arg0: i32) -> (i32, i32) {
    %c0_i32 = arith.constant 0 : i32
    %c0_i32_0 = arith.constant 0 : i32
    return %arg0, %c0_i32 : i32, i32
  }
  func.func @transform_4(%arg0: i32) -> i32 {
    %c0_i32 = arith.constant 0 : i32
    return %arg0 : i32
  }
}

module attributes {stable_mosaic.version = 14 : i64} {
  func.func @_mid_body(%arg0: i32, %arg1: memref<2x512x128xf32, #tpu.memory_space<vmem>>, %arg2: memref<512x128xf32, #tpu.memory_space<vmem>>, %arg3: memref<512xf32, #tpu.memory_space<vmem>>, %arg4: memref<128x128xf32, #tpu.memory_space<vmem>>, %arg5: memref<1x128xf32, #tpu.memory_space<vmem>>, %arg6: memref<512x128xf32, #tpu.memory_space<vmem>>) attributes {dimension_semantics = [#tpu.dimension_semantics<arbitrary>], iteration_bounds = array<i64: 20>, scalar_prefetch = 0 : i64, scratch_operands = 0 : i64, tpu.core_type = #tpu.core_type<tc>, window_params = [{transform_indices = @transform_0, window_bounds = array<i64: 2, 512, 128>}, {transform_indices = @transform_1, window_bounds = array<i64: 512, 128>}, {transform_indices = @transform_2, window_bounds = array<i64: 512>}, {pipeline_mode = #tpu.pipeline_mode<synchronous>, transform_indices = @transform_3, window_bounds = array<i64: 128, 128>}, {pipeline_mode = #tpu.pipeline_mode<synchronous>, transform_indices = @transform_4, window_bounds = array<i64: 1, 128>}, {transform_indices = @transform_5, window_bounds = array<i64: 512, 128>}]} {
    %get3A = arith.constant 0 : index
    %get3A_0 = vector.load %arg3[%get3A] : memref<512xf32, #tpu.memory_space<vmem>>, vector<512xf32>
    %get3A_1 = arith.constant 0 : index
    %get3A_2 = arith.constant 0 : index
    %get3A_3 = arith.constant 0 : index
    %get3A_4 = vector.load %arg1[%get3A_1, %get3A_2, %get3A_3] : memref<2x512x128xf32, #tpu.memory_space<vmem>>, vector<1x512x128xf32>
    %get3A_5 = vector.shape_cast %get3A_4 : vector<1x512x128xf32> to vector<512x128xf32>
    %get3A_6 = arith.constant 1 : index
    %get3A_7 = arith.constant 0 : index
    %get3A_8 = arith.constant 0 : index
    %get3A_9 = vector.load %arg1[%get3A_6, %get3A_7, %get3A_8] : memref<2x512x128xf32, #tpu.memory_space<vmem>>, vector<1x512x128xf32>
    %get3A_10 = vector.shape_cast %get3A_9 : vector<1x512x128xf32> to vector<512x128xf32>
    %add3A = arith.addf %get3A_5, %get3A_10 : vector<512x128xf32>
    %get3A_11 = arith.constant 0 : index
    %get3A_12 = arith.constant 0 : index
    %get3A_13 = vector.load %arg2[%get3A_11, %get3A_12] : memref<512x128xf32, #tpu.memory_space<vmem>>, vector<512x128xf32>
    %add3A_14 = arith.addf %add3A, %get3A_13 : vector<512x128xf32>
    %broadcast_in_dim3A = vector.shape_cast %get3A_0 : vector<512xf32> to vector<512x1xf32>
    %mul3A = vector.broadcast %broadcast_in_dim3A : vector<512x1xf32> to vector<512x128xf32>
    %mul3A_15 = arith.mulf %add3A_14, %mul3A : vector<512x128xf32>
    %get3A_16 = arith.constant 0 : index
    %get3A_17 = arith.constant 0 : index
    %get3A_18 = vector.load %arg5[%get3A_16, %get3A_17] : memref<1x128xf32, #tpu.memory_space<vmem>>, vector<1x128xf32>
    %add3A_19 = vector.broadcast %get3A_18 : vector<1x128xf32> to vector<512x128xf32>
    %add3A_20 = arith.addf %mul3A_15, %add3A_19 : vector<512x128xf32>
    %max3A = arith.constant 0.000000e+00 : f32
    %max3A_21 = vector.broadcast %max3A : f32 to vector<512x128xf32>
    %max3A_22 = arith.maximumf %add3A_20, %max3A_21 : vector<512x128xf32>
    %get3A_23 = arith.constant 0 : index
    %get3A_24 = arith.constant 0 : index
    %get3A_25 = vector.load %arg4[%get3A_23, %get3A_24] : memref<128x128xf32, #tpu.memory_space<vmem>>, vector<128x128xf32>
    %dot_general3A = arith.constant dense<0.000000e+00> : vector<512x128xf32>
    %dot_general3A_26 = tpu.matmul %max3A_22, %get3A_25, %dot_general3A {dimension_numbers = #tpu.dot_dimension_numbers<[1], [0], [0], [1], [0, 0, 1, 1], [], []>, transpose_lhs_hint = false} : vector<512x128xf32>, vector<128x128xf32>, vector<512x128xf32> -> vector<512x128xf32>
    %broadcast_in_dim3A_27 = vector.shape_cast %get3A_0 : vector<512xf32> to vector<512x1xf32>
    %mul3A_28 = vector.broadcast %broadcast_in_dim3A_27 : vector<512x1xf32> to vector<512x128xf32>
    %mul3A_29 = arith.mulf %dot_general3A_26, %mul3A_28 : vector<512x128xf32>
    %swap3A = arith.constant 0 : index
    %swap3A_30 = arith.constant 0 : index
    %swap3A_31 = vector.load %arg6[%swap3A, %swap3A_30] : memref<512x128xf32, #tpu.memory_space<vmem>>, vector<512x128xf32>
    tpu.vector_store %arg6[%swap3A, %swap3A_30], %mul3A_29 {strides = array<i32>} : memref<512x128xf32, #tpu.memory_space<vmem>>, vector<512x128xf32>,
    return
  }
  func.func @transform_0(%arg0: i32) -> (i32, i32, i32) {
    %c0_i32 = arith.constant 0 : i32
    %c0_i32_0 = arith.constant 0 : i32
    %c0_i32_1 = arith.constant 0 : i32
    return %c0_i32, %arg0, %c0_i32_0 : i32, i32, i32
  }
  func.func @transform_1(%arg0: i32) -> (i32, i32) {
    %c0_i32 = arith.constant 0 : i32
    %c0_i32_0 = arith.constant 0 : i32
    return %arg0, %c0_i32 : i32, i32
  }
  func.func @transform_2(%arg0: i32) -> i32 {
    %c0_i32 = arith.constant 0 : i32
    return %arg0 : i32
  }
  func.func @transform_3(%arg0: i32) -> (i32, i32) {
    %c0_i32 = arith.constant 0 : i32
    %c0_i32_0 = arith.constant 0 : i32
    %c0_i32_1 = arith.constant 0 : i32
    return %c0_i32, %c0_i32_0 : i32, i32
  }
  func.func @transform_4(%arg0: i32) -> (i32, i32) {
    %c0_i32 = arith.constant 0 : i32
    %c0_i32_0 = arith.constant 0 : i32
    %c0_i32_1 = arith.constant 0 : i32
    return %c0_i32, %c0_i32_0 : i32, i32
  }
  func.func @transform_5(%arg0: i32) -> (i32, i32) {
    %c0_i32 = arith.constant 0 : i32
    %c0_i32_0 = arith.constant 0 : i32
    return %arg0, %c0_i32 : i32, i32
  }
}

module attributes {stable_mosaic.version = 14 : i64} {
  func.func @_fin_body(%arg0: i32, %arg1: memref<2x512x128xf32, #tpu.memory_space<vmem>>, %arg2: memref<512x128xf32, #tpu.memory_space<vmem>>, %arg3: memref<512xf32, #tpu.memory_space<vmem>>, %arg4: memref<1x128xf32, #tpu.memory_space<vmem>>, %arg5: memref<1x128xf32, #tpu.memory_space<vmem>>) attributes {dimension_semantics = [#tpu.dimension_semantics<arbitrary>], iteration_bounds = array<i64: 20>, scalar_prefetch = 0 : i64, scratch_operands = 0 : i64, tpu.core_type = #tpu.core_type<tc>, window_params = [{transform_indices = @transform_0, window_bounds = array<i64: 2, 512, 128>}, {transform_indices = @transform_1, window_bounds = array<i64: 512, 128>}, {transform_indices = @transform_2, window_bounds = array<i64: 512>}, {pipeline_mode = #tpu.pipeline_mode<synchronous>, transform_indices = @transform_3, window_bounds = array<i64: 1, 128>}, {pipeline_mode = #tpu.pipeline_mode<synchronous>, transform_indices = @transform_4, window_bounds = array<i64: 1, 128>}]} {
    %get3A = arith.constant 0 : index
    %get3A_0 = arith.constant 0 : index
    %get3A_1 = arith.constant 0 : index
    %get3A_2 = vector.load %arg1[%get3A, %get3A_0, %get3A_1] : memref<2x512x128xf32, #tpu.memory_space<vmem>>, vector<1x512x128xf32>
    %get3A_3 = vector.shape_cast %get3A_2 : vector<1x512x128xf32> to vector<512x128xf32>
    %get3A_4 = arith.constant 1 : index
    %get3A_5 = arith.constant 0 : index
    %get3A_6 = arith.constant 0 : index
    %get3A_7 = vector.load %arg1[%get3A_4, %get3A_5, %get3A_6] : memref<2x512x128xf32, #tpu.memory_space<vmem>>, vector<1x512x128xf32>
    %get3A_8 = vector.shape_cast %get3A_7 : vector<1x512x128xf32> to vector<512x128xf32>
    %add3A = arith.addf %get3A_3, %get3A_8 : vector<512x128xf32>
    %get3A_9 = arith.constant 0 : index
    %get3A_10 = arith.constant 0 : index
    %get3A_11 = vector.load %arg2[%get3A_9, %get3A_10] : memref<512x128xf32, #tpu.memory_space<vmem>>, vector<512x128xf32>
    %add3A_12 = arith.addf %add3A, %get3A_11 : vector<512x128xf32>
    %get3A_13 = arith.constant 0 : index
    %get3A_14 = vector.load %arg3[%get3A_13] : memref<512xf32, #tpu.memory_space<vmem>>, vector<512xf32>
    %broadcast_in_dim3A = vector.shape_cast %get3A_14 : vector<512xf32> to vector<512x1xf32>
    %mul3A = vector.broadcast %broadcast_in_dim3A : vector<512x1xf32> to vector<512x128xf32>
    %mul3A_15 = arith.mulf %add3A_12, %mul3A : vector<512x128xf32>
    %reduce_sum3A = arith.constant dense<0.000000e+00> : vector<128xf32>
    %reduce_sum3A_16 = vector.multi_reduction <add>, %mul3A_15, %reduce_sum3A [0] : vector<512x128xf32> to vector<128xf32>
    %broadcast_in_dim3A_17 = vector.shape_cast %reduce_sum3A_16 : vector<128xf32> to vector<1x128xf32>
    %mul3A_18 = arith.constant 9.99999974E-5 : f32
    %mul3A_19 = vector.broadcast %mul3A_18 : f32 to vector<1x128xf32>
    %mul3A_20 = arith.mulf %broadcast_in_dim3A_17, %mul3A_19 : vector<1x128xf32>
    %eq3A = arith.constant 0 : i32
    %eq3A_21 = arith.cmpi eq, %arg0, %eq3A : i32
    %convert_element_type3A = arith.extui %eq3A_21 : i1 to i32
    %cond3A = arith.constant 0 : i32
    %cond3A_22 = arith.cmpi ne, %convert_element_type3A, %cond3A : i32
    scf.if %cond3A_22 {
      %get3A_27 = arith.constant 0 : index
      %get3A_28 = arith.constant 0 : index
      %get3A_29 = vector.load %arg4[%get3A_27, %get3A_28] : memref<1x128xf32, #tpu.memory_space<vmem>>, vector<1x128xf32>
      %add3A_30 = arith.addf %get3A_29, %mul3A_20 : vector<1x128xf32>
      %swap3A = arith.constant 0 : index
      %swap3A_31 = arith.constant 0 : index
      %swap3A_32 = vector.load %arg5[%swap3A, %swap3A_31] : memref<1x128xf32, #tpu.memory_space<vmem>>, vector<1x128xf32>
      tpu.vector_store %arg5[%swap3A, %swap3A_31], %add3A_30 {strides = array<i32>} : memref<1x128xf32, #tpu.memory_space<vmem>>, vector<1x128xf32>,
    } else {
    }
    %gt3A = arith.constant 0 : i32
    %gt3A_23 = arith.cmpi sgt, %arg0, %gt3A : i32
    %convert_element_type3A_24 = arith.extui %gt3A_23 : i1 to i32
    %cond3A_25 = arith.constant 0 : i32
    %cond3A_26 = arith.cmpi ne, %convert_element_type3A_24, %cond3A_25 : i32
    scf.if %cond3A_26 {
      %get3A_27 = arith.constant 0 : index
      %get3A_28 = arith.constant 0 : index
      %get3A_29 = vector.load %arg5[%get3A_27, %get3A_28] : memref<1x128xf32, #tpu.memory_space<vmem>>, vector<1x128xf32>
      %add3A_30 = arith.addf %get3A_29, %mul3A_20 : vector<1x128xf32>
      %swap3A = arith.constant 0 : index
      %swap3A_31 = arith.constant 0 : index
      %swap3A_32 = vector.load %arg5[%swap3A, %swap3A_31] : memref<1x128xf32, #tpu.memory_space<vmem>>, vector<1x128xf32>
      tpu.vector_store %arg5[%swap3A, %swap3A_31], %add3A_30 {strides = array<i32>} : memref<1x128xf32, #tpu.memory_space<vmem>>, vector<1x128xf32>,
    } else {
    }
    return
  }
  func.func @transform_0(%arg0: i32) -> (i32, i32, i32) {
    %c0_i32 = arith.constant 0 : i32
    %c0_i32_0 = arith.constant 0 : i32
    %c0_i32_1 = arith.constant 0 : i32
    return %c0_i32, %arg0, %c0_i32_0 : i32, i32, i32
  }
  func.func @transform_1(%arg0: i32) -> (i32, i32) {
    %c0_i32 = arith.constant 0 : i32
    %c0_i32_0 = arith.constant 0 : i32
    return %arg0, %c0_i32 : i32, i32
  }
  func.func @transform_2(%arg0: i32) -> i32 {
    %c0_i32 = arith.constant 0 : i32
    return %arg0 : i32
  }
  func.func @transform_3(%arg0: i32) -> (i32, i32) {
    %c0_i32 = arith.constant 0 : i32
    %c0_i32_0 = arith.constant 0 : i32
    %c0_i32_1 = arith.constant 0 : i32
    return %c0_i32, %c0_i32_0 : i32, i32
  }
  func.func @transform_4(%arg0: i32) -> (i32, i32) {
    %c0_i32 = arith.constant 0 : i32
    %c0_i32_0 = arith.constant 0 : i32
    %c0_i32_1 = arith.constant 0 : i32
    return %c0_i32, %c0_i32_0 : i32, i32
  }
}

</mosaic_0001>

<sc_bundles>
// kernel: kernel.11.cloned.1.call-start
scs
__scs_entry_jumppad:
0x0: {  	(pc) =	sbr.rel $0x88, $3  }
0x1: {  	(tag) =	ssettag $0x0;
	lr =	simm.s32 $0x1  }
0x2: {  	[smem:$0x3F9B] =	sst lr;
	_ =	strace $0xD0000000  }
0x3: {  	_ = 	snop  }
0x4: {  	_ = 	snop  }
0x5: {  	_ = 	snop  }
0x6: {  	_ = 	snop  }
0x7: {  	_ = 	snop  }
__scs_overlays_trampoline_lowered:
0x8: {  	[smem:$0x3FAA] =	sst s0  }
0x9: {  	[smem:$0x3FAB] =	sst s1  }
0xa: {  	[smem:$0x3FAC] =	sst s2  }
0xb: {  	[smem:$0x3FAD] =	sst s3  }
0xc: {  	[smem:$0x3FAE] =	sst s4  }
0xd: {  	[smem:$0x3FAF] =	sst s5  }
0xe: {  	[smem:$0x3FB0] =	sst s6  }
0xf: {  	[smem:$0x3FB1] =	sst s7  }
0x10: {  	[smem:$0x3FB2] =	sst s8  }
0x11: {  	[smem:$0x3FB3] =	sst s9;
	s0 =	simm.s32 @!p0 $0x0  }
0x12: {  	s1 =	sld [smem:$0x3F99];
	s0 =	simm.s32 @p0 $0x1  }
0x13: {  	[smem:$0x3FB4] =	sst s0;
	s0 =	simm.s32 @!p1 $0x0  }
0x14: {  	s2 =	sld [smem:$0x3F98];
	s0 =	simm.s32 @p1 $0x1  }
0x15: {  	[smem:$0x3FB5] =	sst s0;
	s0 =	simm.s32 @!p2 $0x0  }
0x16: {  	s3 =	sld [smem:$0x3FDB];
	s0 =	simm.s32 @p2 $0x1  }
0x17: {  	s4 =	simm.s32 $0x1BF5;
	[smem:$0x3FB7] =	sst s0  }
0x18: {  	s0 =	sld [smem:$0x3F9A];
	_ =	swait.ge [sflag:s4], $0x0  }
0x19: {  	s7 =	sld [smem:$0x3F9B]  }
0x1a: {  	s8 =	sadd.s32 $0xFFFFE003, lr  }
0x1b: {  	s9 =	sadd.s32 $0xFFFFFEF7, lr;
	s5 =	simm.s32 $0xFFFFFFFF;
	p2 =	slt.u32 s8, $0xFFFFF086  }
0x1c: {  	p1 =	slt.u32 s9, $0xF7A;
	s5 =	simm.s32 @!p2 $0x0  }
0x1d: {  	s5 =	simm.s32 @p1 $0x1;
	p0 =	seq.s32 s7, s2  }
0x1e: {  	s7 =	smul.u32 @!p0 $0xF7A, s2;
	p2 =	seq.s32 @!p0 s5, $0x0  }
0x1f: {  	s9 =	smul.u32 $0xF7A, s1;
	s8 =	simm.s32 @!p0 $0x1BF5;
	p2 =	por !p2, p0  }
0x20: {  	[sflag:s8] =	ssyncset.s32 @!p0 $0xFFFFF086;
	s6 =	sadd.s32 @!p0 s3, s7;
	s7 =	simm.s32 @!p0 $0x108  }
0x21: {  	s3 =	sadd.s32 s3, s9;
	s6 =	sadd.s32 @!p0 $0x88, s6;
	s7 =	simm.s32 @p2 $0x1082  }
0x22: {  	[simem:s7], [sflag:s8] =	dma.local @!p0 [hbm:s6], $0xF7A  }
0x23: {  	s9 =	sor.u32 $0xD0000000, s2;
	s6 =	simm.s32 $0x108;
	_ =	swait.ge @!p0 [sflag:s8], $0x0  }
0x24: {  	s3 =	sadd.s32 $0x88, s3;
	s6 =	simm.s32 @!p1 $0x1082;
	[sflag:s4] =	ssyncset.s32 $0xFFFFF086  }
0x25: {  	[simem:s6], [sflag:s4] =	dma.local [hbm:s3], $0xF7A  }
0x26: {  	[smem:$0x3F9B] =	sst s1;
	(tag) =	ssettag s2;
	_ =	strace s9  }
0x27: {  	s1 =	sld [smem:$0x3FAB]  }
0x28: {  	s2 =	sld [smem:$0x3FAC]  }
0x29: {  	s4 =	sld [smem:$0x3FAE]  }
0x2a: {  	p0 =	seq.s32 s5, $0x0;
	s5 =	sld [smem:$0x3FAF]  }
0x2b: {  	s6 =	sld [smem:$0x3FB0]  }
0x2c: {  	s7 =	sld [smem:$0x3FB1]  }
0x2d: {  	s3 =	simm.s32 $0x108;
	s8 =	sld [smem:$0x3FB2]  }
0x2e: {  	s3 =	simm.s32 @!p0 $0x1082;
	s9 =	sld [smem:$0x3FB3]  }
0x2f: {  	lr =	sadd.s32 s0, s3;
	s0 =	sld [smem:$0x3FAA]  }
0x30: {  	s3 =	sld [smem:$0x3FAD]  }
0x31: {  	[smem:$0x3FB6] =	sst s10  }
0x32: {  	s10 =	sld [smem:$0x3FB4];
	_ =	sdelay $0x3  }
0x33: {  	p0 =	seq.s32 s10, $0x1;
	s10 =	sld [smem:$0x3FB6];
	_ =	sdelay $0x3  }
0x34: {  	[smem:$0x3FB6] =	sst s10  }
0x35: {  	s10 =	sld [smem:$0x3FB5];
	_ =	sdelay $0x3  }
0x36: {  	p1 =	seq.s32 s10, $0x1;
	s10 =	sld [smem:$0x3FB6];
	_ =	sdelay $0x3  }
0x37: {  	[smem:$0x3FB6] =	sst s10  }
0x38: {  	s10 =	sld [smem:$0x3FB7]  }
0x39: {  	_ = 	snop;
	(pc) =	sbr.ind lr, $3  }
0x3a: {  	_ = 	snop  }
0x3b: {  	_ = 	snop  }
0x3c: {  	p2 =	seq.s32 s10, $0x1;
	s10 =	sld [smem:$0x3FB6]  }
0x3d: {  	_ =	shalt  }
0x3e: {  	_ =	shalt  }
0x3f: {  	_ =	shalt  }
0x40: {  	_ =	shalt  }
0x41: {  	_ =	shalt  }
0x42: {  	_ =	shalt  }
0x43: {  	_ =	shalt  }
0x44: {  	_ =	shalt  }
0x45: {  	_ =	shalt  }
0x46: {  	_ =	shalt  }
0x47: {  	_ =	shalt  }
0x48: {  	_ =	shalt  }
0x49: {  	_ =	shalt  }
0x4a: {  	_ =	shalt  }
0x4b: {  	_ =	shalt  }
0x4c: {  	_ =	shalt  }
0x4d: {  	_ =	shalt  }
0x4e: {  	_ =	shalt  }
0x4f: {  	_ =	shalt  }
0x50: {  	_ =	shalt  }
0x51: {  	_ =	shalt  }
0x52: {  	_ =	shalt  }
0x53: {  	_ =	shalt  }
0x54: {  	_ =	shalt  }
0x55: {  	_ =	shalt  }
0x56: {  	_ =	shalt  }
0x57: {  	_ =	shalt  }
0x58: {  	_ =	shalt  }
0x59: {  	_ =	shalt  }
0x5a: {  	_ =	shalt  }
0x5b: {  	_ =	shalt  }
0x5c: {  	_ =	shalt  }
0x5d: {  	_ =	shalt  }
0x5e: {  	_ =	shalt  }
0x5f: {  	_ =	shalt  }
0x60: {  	_ =	shalt  }
0x61: {  	_ =	shalt  }
0x62: {  	_ =	shalt  }
0x63: {  	_ =	shalt  }
0x64: {  	_ =	shalt  }
0x65: {  	_ =	shalt  }
0x66: {  	_ =	shalt  }
0x67: {  	_ =	shalt  }
0x68: {  	_ =	shalt  }
0x69: {  	_ =	shalt  }
0x6a: {  	_ =	shalt  }
0x6b: {  	_ =	shalt  }
0x6c: {  	_ =	shalt  }
0x6d: {  	_ =	shalt  }
0x6e: {  	_ =	shalt  }
0x6f: {  	_ =	shalt  }
0x70: {  	_ =	shalt  }
0x71: {  	_ =	shalt  }
0x72: {  	_ =	shalt  }
0x73: {  	_ =	shalt  }
0x74: {  	_ =	shalt  }
0x75: {  	_ =	shalt  }
0x76: {  	_ =	shalt  }
0x77: {  	_ =	shalt  }
0x78: {  	_ =	shalt  }
0x79: {  	_ =	shalt  }
0x7a: {  	_ =	shalt  }
0x7b: {  	_ =	shalt  }
0x7c: {  	_ =	shalt  }
0x7d: {  	_ =	shalt  }
0x7e: {  	_ =	shalt  }
0x7f: {  	_ =	shalt  }
0x80: {  	_ =	shalt  }
0x81: {  	_ =	shalt  }
0x82: {  	_ =	shalt  }
0x83: {  	_ =	shalt  }
0x84: {  	_ =	shalt  }
0x85: {  	_ =	shalt  }
0x86: {  	_ =	shalt  }
0x87: {  	_ =	shalt  }
.Lfunc_end0:
.L_simem_size_0:
called_computation.1_lowered:
.L_overlay_start_0:
0x88: {  	s2 =	sld [smem:$0x3FD9]  }
0x89: {  	s3 =	sld [smem:$0x3FFE];
	_ =	sdelay $0x1  }
0x8a: {  	s1 =	srdreg.scid  }
0x8b: {  	s0 =	sand.u32 $0x1, s1  }
0x8c: {  	s16 =	sshll.u32 s0, $0xA;
	s2 =	sadd.s32 s3, s2  }
0x8d: {  	s2 =	sadd.s32 s2, s16  }
0x8e: {  	[smem:$0x3FC2] =	sst s2  }
0x8f: {  	_ = 	snop  }
0x90: {  	(tm) =	ssettm $0x1  }
0x91: {  	s17 =	sld [smem:$0x3FFB];
	_ =	sdelay $0x3  }
0x92: {  	_ =	strace s17  }
0x93: {  	s2 =	sld [smem:$0x3FFC];
	_ =	sdelay $0x3  }
0x94: {  	_ =	strace s2  }
0x95: {  	s2 =	sld [smem:$0x3FFD];
	_ =	sdelay $0x3  }
0x96: {  	_ =	strace s2  }
0x97: {  	_ =	strace $0x8FFFFFFF  }
0x98: {  	s18 =	sld [smem:$0x3FDB];
	_ =	sdelay $0x1  }
0x99: {  	s19 =	simm.s32 $_scs_section_size  }
0x9a: {  	s4 =	simm.s32 $_size__tile_overlayer_lowered;
	s5 =	simm.s32 $_tile_overlayer_lowered  }
0x9b: {  	s22 =	simm.s32 $0x1BFF;
	s21 =	sshll.u32 s5, $0x1;
	s2 =	sadd.s32 s19, s18  }
0x9c: {  	s6 =	simm.s32 $0x0;
	s20 =	sshll.u32 s4, $0x1;
	s4 =	sadd.s32 s21, s2  }
0x9d: {  	[timem:s6], [sflag:s22] =	dma.local [hbm:s4], s20  }
0x9e: {  	_ =	swait.ge [sflag:s22], s20  }
0x9f: {  	s3 =	ssub.s32 $0x0, s20;
	[sflag:s22] =	ssyncset.done $0x0  }
0xa0: {  	[sflag:s22] =	ssyncadd.s32 s3;
	_ =	sdelay $0x1  }
0xa1: {  	s23 =	simm.s32 $0x1B8B  }
0xa2: {  	_ =	swait.ge [sflag:s23], $0x1  }
0xa3: {  	[sflag:s23] =	ssyncset.done $0x0  }
0xa4: {  	s25 =	simm.s32 $0x1B8E;
	s24 =	sld [smem:$0x3FFE];
	[sflag:s23] =	ssyncadd.s32 $0xFFFFFFFF  }
0xa5: {  	s26 =	simm.s32 $execute0_lowered;
	[smem:$0x3FD2] =	sst s25  }
0xa6: {  	s4 =	sshll.u32 s26, $0x1;
	_ =	strace $0x80000049;
	[dreg:$0x1] =	wrdreg $0xFFFFFFFF  }
0xa7: {  	s28 =	simm.s32 $_size_execute0_lowered;
	s2 =	sadd.s32 s2, s4;
	[dreg:$0x0] =	wrdreg $0x0  }
0xa8: {  	s4 =	sshll.u32 s28, $0x1;
	[dreg:$0x2] =	wrdreg s2  }
0xa9: {  	[dreg:$0x3] =	wrdreg s4  }
0xaa: {  	[dreg:$0x4] =	wrdreg $0xC0  }
0xab: {  	_ =	task [dreg:s6], $0x5FFFF  }
0xac: {  	[dreg:$0x1] =	wrdreg $0xFFFFFFFF  }
0xad: {  	[dreg:$0x0] =	wrdreg $0x60  }
0xae: {  	[dreg:$0x2] =	wrdreg s24  }
0xaf: {  	[dreg:$0x3] =	wrdreg $0x0  }
0xb0: {  	[dreg:$0x4] =	wrdreg $0x9  }
0xb1: {  	_ =	task.clear_ibuf [dreg:s6], $0x5FFFF;
	_ =	strace $0x90000049  }
0xb2: {  	s29 =	simm.s32 $0x9;
	_ =	strace $0x8000004B  }
0xb3: {  	_ =	swait.ge [sflag:s29], $0x1  }
0xb4: {  	[sflag:s29] =	ssyncadd.s32 $0xFFFFFFFF  }
0xb5: {  	_ =	strace $0x9000004B  }
0xb6: {  	_ =	sfence  }
0xb7: {  	s30 =	sld [smem:$0x0];
	_ =	sdelay $0x2  }
0xb8: {  	s31 =	sshll.u32 s1, $0xD;
	s1 =	sshrl.u32 s1, $0x2  }
0xb9: {  	s3 =	sand.u32 $0x4000, s31;
	s1 =	sadd.s32 s1, s30  }
0xba: {  	s0 =	sor.u32 s3, s0;
	s1 =	sshll.u32 s1, $0x11  }
0xbb: {  	s0 =	sor.u32 s1, s0  }
0xbc: {  	s0 =	sadd.s32 $0x8F2B, s0  }
0xbd: {  	[sflag:s0] =	ssyncadd.remote.s32 $0x1  }
0xbe: {  	_ =	sfence.sel $0xFFFF  }
0xbf: {  	[dreg:$0x0] =	wrdreg $0xFFFFFFFF;
	(pc) =	sbr.abs _section_cstart, $3  }
0xc0: {  	[dreg:$0x1] =	wrdreg $0xFFFFFFFF  }
0xc1: {  	_ =	task.clear_ibuf [dreg:s6], $0x2FFFF;
	_ =	strace $0x9FFFFFFF  }
0xc2: {  	(tm) =	ssettm $0x7FFFFFFF  }
0xc3: {  	_ =	shalt  }
tec
execute0_lowered:
.L_overlay_start_1:
0x0: {  	(tag) =	ssettag $0x1  }
0x1: {  	s5 =	rddreg [dreg:$0x0];
	s3 =	srdreg.scid  }
0x2: {  	s1 =	rddreg [dreg:$0x1];
	s6 =	sand.u32 $0x1, s3  }
0x3: {  	s0 =	rddreg [dreg:$0x2];
	s2 =	simm.s32 $0x0;
	s7 =	smul.u32 $0x6800, s6  }
0x4: {  	s17 =	simm.s32 $0x1;
	s3 =	stileid.u32;
	s8 =	smul.u32 $0x28000, s6  }
0x5: {  	[smem:$0x7FF] =	sst s2;
	s4 =	sadd.s32 $0x1D800, s5;
	s10 =	smul.u32 $0x50000, s3  }
0x6: {  	_ =	strace $0x8000004A;
	s9 =	ssub.s32 $0x2, s6;
	s15 =	smul.u32 $0x680, s3  }
0x7: {  	p0 =	seq.s32 s6, $0x0;
	s19 =	smul.u32 $0x2800, s3;
	s20 =	sshll.u32 s3, $0x6  }
0x8: {  	s30 =	sshrl.u32 s9, $0x1;
	s11 =	sadd.s32 s7, s5;
	s12 =	sadd.s32 s8, s5  }
0x9: {  	s13 =	ssub.s32 s9, s30;
	s31 =	sshrl.u32 s10, $0x2;
	s5 =	simm.s32 $0x3C  }
0xa: {  	s6 =	sadd.s32 s31, s1;
	s5 =	simm.s32 @!p0 $0x61;
	s14 =	sadd.s32 $0x3800, s11  }
0xb: {  	s16 =	sadd.s32 $0x10800, s11;
	s18 =	sadd.s32 $0x45800, s12;
	s11 =	smax.u32 s13, $0x1  }
0xc: {  	s12 =	simm.s32 $0x1A800;
	s13 =	simm.s32 $0x2;
	s7 =	sadd.s32 $0x4000, s6  }
0xd: {  	s8 =	sadd.s32 $0x8000, s6;
	s9 =	sadd.s32 $0xC000, s6;
	s10 =	sadd.s32 $0x10000, s6  }
0xe: {  	s14 =	sadd.s32 s15, s14;
	s15 =	sadd.s32 s15, s16;
	s16 =	simm.s32 $0x80  }
0xf: {  	v0 =	vimm.f32 $0.0e+00;
	s18 =	sadd.s32 s19, s18;
	s19 =	sor.u32 $0x1C02, s20;
	s20 =	simm.s32 $0x0  }
.LBB2_1:
0x10: {  	s21 =	simm.s32 $0x0;
	s22 =	simm.s32 $0x200  }
.LBB2_2:
0x11: {  	p0 =	sne.s32 s22, $0xFE00;
	[tilespmem:s21+$0x1A870] =	vst v0  }
0x12: {  	[tilespmem:s21+$0x1A800] =	vst v0  }
0x13: {  	[tilespmem:s21+$0x1A810] =	vst v0  }
.Ltmp0:
0x14: {  	[tilespmem:s21+$0x1A820] =	vst v0;
	(pc) =	sbr.rel @p0 .LBB2_2-.Ltmp0, $4  }
0x15: {  	[tilespmem:s21+$0x1A830] =	vst v0  }
0x16: {  	[tilespmem:s21+$0x1A840] =	vst v0  }
0x17: {  	[tilespmem:s21+$0x1A850] =	vst v0  }
0x18: {  	[tilespmem:s21+$0x1A860] =	vst v0;
	s21 =	sshra.s32 s22, $0x2;
	s22 =	sadd.s32 $0x200, s22  }
0x19: {  	[tilespmem:s21+$0x1A870] =	vst v0  }
0x1a: {  	[tilespmem:s21+$0x1A800] =	vst v0  }
0x1b: {  	[tilespmem:s21+$0x1A810] =	vst v0  }
0x1c: {  	[tilespmem:s21+$0x1A820] =	vst v0  }
0x1d: {  	[tilespmem:s21+$0x1A830] =	vst v0  }
0x1e: {  	[tilespmem:s21+$0x1A840] =	vst v0  }
0x1f: {  	[tilespmem:s21+$0x1A850] =	vst v0  }
0x20: {  	[tilespmem:s21+$0x1A860] =	vst v0  }
0x21: {  	[spmem:s6] =	stream.linear.scatter [tilespmem:s12], [sflag:$0x2], $0x4000, $0x38;
	[tilespmem:$0x1E800] =	vst v63  }
0x22: {  	_ =	swait.ge [sflag:s13], $0x4000  }
0x23: {  	[sflag:s13] =	ssyncset.done $0x0  }
0x24: {  	[sflag:s13] =	ssyncadd.s32 $0xFFFFC000  }
0x25: {  	[spmem:s7] =	stream.linear.scatter [tilespmem:s12], [sflag:$0x2], $0x4000, $0x38;
	[tilespmem:$0x1E800] =	vst v63  }
0x26: {  	_ =	swait.ge [sflag:s13], $0x4000  }
0x27: {  	[sflag:s13] =	ssyncset.done $0x0  }
0x28: {  	[sflag:s13] =	ssyncadd.s32 $0xFFFFC000  }
0x29: {  	[spmem:s8] =	stream.linear.scatter [tilespmem:s12], [sflag:$0x2], $0x4000, $0x38;
	[tilespmem:$0x1E800] =	vst v63  }
0x2a: {  	_ =	swait.ge [sflag:s13], $0x4000  }
0x2b: {  	[sflag:s13] =	ssyncset.done $0x0  }
0x2c: {  	[sflag:s13] =	ssyncadd.s32 $0xFFFFC000  }
0x2d: {  	[spmem:s9] =	stream.linear.scatter [tilespmem:s12], [sflag:$0x2], $0x4000, $0x38;
	[tilespmem:$0x1E800] =	vst v63  }
0x2e: {  	_ =	swait.ge [sflag:s13], $0x4000  }
0x2f: {  	[sflag:s13] =	ssyncset.done $0x0  }
0x30: {  	[sflag:s13] =	ssyncadd.s32 $0xFFFFC000  }
0x31: {  	[spmem:s10] =	stream.linear.scatter [tilespmem:s12], [sflag:$0x2], $0x4000, $0x38;
	[tilespmem:$0x1E800] =	vst v63  }
0x32: {  	_ =	swait.ge [sflag:s13], $0x4000  }
0x33: {  	[sflag:s13] =	ssyncset.done $0x0  }
0x34: {  	s21 =	simm.s32 $0x14000;
	[sflag:s13] =	ssyncadd.s32 $0xFFFFC000  }
0x35: {  	[tilespmem:s21], [sflag:$0x2] =	stream.linear.gather [hbm4b:s14+s2], $0x3080, $0x38;
	[tilespmem:$0x1E800] =	vst v63  }
0x36: {  	_ =	swait.ge [sflag:s13], $0x3080  }
0x37: {  	[sflag:s13] =	ssyncset.done $0x0  }
0x38: {  	s22 =	simm.s32 $0x17400;
	[sflag:s13] =	ssyncadd.s32 $0xFFFFCF80  }
0x39: {  	[tilespmem:s22], [sflag:$0x2] =	stream.linear.gather [hbm4b:s15+s2], $0x3080, $0x38;
	[tilespmem:$0x1E800] =	vst v63  }
0x3a: {  	_ =	swait.ge [sflag:s13], $0x3080  }
0x3b: {  	[sflag:s13] =	ssyncset.done $0x0  }
0x3c: {  	[sflag:s13] =	ssyncadd.s32 $0xFFFFCF80  }
0x3d: {  	[bflag:$0x0] =	sbarrier.arrive $0xFFFF  }
0x3e: {  	[tilespmem:s12], [sflag:$0x1] =	stream.indirect.gather [hbm4b:s4+s16], $0x80, s21, s16, $0xb8;
	[tilespmem:$0x1E800] =	vst v63  }
0x3f: {  	p0 =	sne.s32 s5, $0x1;
	_ =	swait.ge [sflag:s17], $0x4000  }
.Ltmp1:
0x40: {  	[sflag:s17] =	ssyncset.done $0x0;
	(pc) =	sbr.rel @!p0 .LBB2_5-.Ltmp1, $4  }
0x41: {  	[sflag:s17] =	ssyncadd.s32 $0xFFFFC000  }
0x42: {  	[spmem:s1] =	stream.indirect.scatter.add.f32 [tilespmem:s12], [sflag:$0x2], $0x80, s22, s16, $0xb8;
	[tilespmem:$0x1E800] =	vst v63  }
0x43: {  	_ =	swait.ge [sflag:s13], $0x4000  }
0x44: {  	s23 =	sadd.s32 $0xFFFFFFFF, s5;
	[sflag:s13] =	ssyncset.done $0x0  }
.LBB2_4:
0x45: {  	[sflag:s13] =	ssyncadd.s32 $0xFFFFC000;
	s21 =	sadd.s32 $0x80, s21;
	s22 =	sadd.s32 $0x80, s22  }
0x46: {  	[tilespmem:s12], [sflag:$0x1] =	stream.indirect.gather [hbm4b:s4+s16], $0x80, s21, s16, $0xb8;
	[tilespmem:$0x1E800] =	vst v63  }
0x47: {  	p0 =	sne.s32 s23, $0x1;
	s23 =	sadd.s32 $0xFFFFFFFF, s23;
	_ =	swait.ge [sflag:s17], $0x4000  }
.Ltmp2:
0x48: {  	[sflag:s17] =	ssyncset.done $0x0;
	(pc) =	sbr.rel @p0 .LBB2_4-.Ltmp2, $4  }
0x49: {  	[sflag:s17] =	ssyncadd.s32 $0xFFFFC000  }
0x4a: {  	[spmem:s1] =	stream.indirect.scatter.add.f32 [tilespmem:s12], [sflag:$0x2], $0x80, s22, s16, $0xb8;
	[tilespmem:$0x1E800] =	vst v63  }
0x4b: {  	_ =	swait.ge [sflag:s13], $0x4000  }
0x4c: {  	[sflag:s13] =	ssyncset.done $0x0  }
.LBB2_5:
0x4d: {  	s20 =	sadd.s32 $0x1, s20  }
0x4e: {  	[sflag:s13] =	ssyncadd.s32 $0xFFFFC000;
	p0 =	sne.s32 s20, s11  }
.Ltmp3:
0x4f: {  	s21 =	sshrl.u32 s6, $0x3;
	[bflag:$0x0] =	sbarrier.arrive $0xFFFF;
	(pc) =	sbr.rel @p0 .LBB2_1-.Ltmp3, $4  }
0x50: {  	[hbm:s18], [sflag:s19] =	dma.local [spmem:s21], $0x2800  }
0x51: {  	_ =	swait.ge [sflag:s13], $0x2800  }
0x52: {  	[sflag:s13] =	ssyncset.done $0x0  }
0x53: {  	[sflag:s13] =	ssyncadd.s32 $0xFFFFD800  }
0x54: {  	_ =	sfence.sel $0x180000  }
0x55: {  	[bflag:$0x0] =	sbarrier.arrive $0xFFFF  }
0x56: {  	p0 =	sne.s32 s3, $0x0;
	_ =	strace $0x9000004A  }
0x57: {  	s0 =	sadd.s32 @!p0 $0x100000, s0;
	[bflag:$0x2] =	sbarrier.arrive $0xFFFF  }
0x58: {  	[sflag:s0] =	ssyncadd.tile.s32 @!p0 $0x1;
	_ =	shalt  }
.Lfunc_end2:
_tile_overlayer_lowered:
.L_overlay_start_2:
0x59: {  	(tag) =	ssettag $0x2  }
0x5a: {  	s0 =	rddreg [dreg:$0x0];
	s2 =	stileid.u32  }
0x5b: {  	s1 =	rddreg [dreg:$0x1];
	p0 =	sne.s32 s2, $0x0  }
0x5c: {  	s3 =	rddreg [dreg:$0x2];
	[bflag:$0x3] =	sbarrier.arrive $0xFFFF;
	s2 =	simm.s32 @!p0 $0x1C02  }
0x5d: {  	[timem:s3], [sflag:s2] =	dma.local @!p0 [hbm:s0], s1  }
0x5e: {  	s0 =	simm.s32 @!p0 $0x2  }
0x5f: {  	_ =	swait.ge @!p0 [sflag:s0], s1  }
0x60: {  	s1 =	ssub.s32 @!p0 $0x0, s1;
	[sflag:s0] =	ssyncset.done @!p0 $0x0  }
0x61: {  	[sflag:s0] =	ssyncadd.s32 @!p0 s1  }
0x62: {  	[bflag:$0x3] =	sbarrier.arrive $0xFFFF  }
0x63: {  	_ =	shalt  }

// kernel: kernel.14.cloned.1.call-start
scs
__scs_entry_jumppad:
0x0: {  	(pc) =	sbr.rel $0x88, $3  }
0x1: {  	(tag) =	ssettag $0x0;
	lr =	simm.s32 $0x1  }
0x2: {  	[smem:$0x3F9B] =	sst lr;
	_ =	strace $0xD0000000  }
0x3: {  	_ = 	snop  }
0x4: {  	_ = 	snop  }
0x5: {  	_ = 	snop  }
0x6: {  	_ = 	snop  }
0x7: {  	_ = 	snop  }
__scs_overlays_trampoline_lowered:
0x8: {  	[smem:$0x3FAA] =	sst s0  }
0x9: {  	[smem:$0x3FAB] =	sst s1  }
0xa: {  	[smem:$0x3FAC] =	sst s2  }
0xb: {  	[smem:$0x3FAD] =	sst s3  }
0xc: {  	[smem:$0x3FAE] =	sst s4  }
0xd: {  	[smem:$0x3FAF] =	sst s5  }
0xe: {  	[smem:$0x3FB0] =	sst s6  }
0xf: {  	[smem:$0x3FB1] =	sst s7  }
0x10: {  	[smem:$0x3FB2] =	sst s8  }
0x11: {  	[smem:$0x3FB3] =	sst s9;
	s0 =	simm.s32 @!p0 $0x0  }
0x12: {  	s1 =	sld [smem:$0x3F99];
	s0 =	simm.s32 @p0 $0x1  }
0x13: {  	[smem:$0x3FB4] =	sst s0;
	s0 =	simm.s32 @!p1 $0x0  }
0x14: {  	s2 =	sld [smem:$0x3F98];
	s0 =	simm.s32 @p1 $0x1  }
0x15: {  	[smem:$0x3FB5] =	sst s0;
	s0 =	simm.s32 @!p2 $0x0  }
0x16: {  	s3 =	sld [smem:$0x3FDB];
	s0 =	simm.s32 @p2 $0x1  }
0x17: {  	s4 =	simm.s32 $0x1BF5;
	[smem:$0x3FB7] =	sst s0  }
0x18: {  	s0 =	sld [smem:$0x3F9A];
	_ =	swait.ge [sflag:s4], $0x0  }
0x19: {  	s7 =	sld [smem:$0x3F9B]  }
0x1a: {  	s8 =	sadd.s32 $0xFFFFE003, lr  }
0x1b: {  	s9 =	sadd.s32 $0xFFFFFEF7, lr;
	s5 =	simm.s32 $0xFFFFFFFF;
	p2 =	slt.u32 s8, $0xFFFFF086  }
0x1c: {  	p1 =	slt.u32 s9, $0xF7A;
	s5 =	simm.s32 @!p2 $0x0  }
0x1d: {  	s5 =	simm.s32 @p1 $0x1;
	p0 =	seq.s32 s7, s2  }
0x1e: {  	s7 =	smul.u32 @!p0 $0xF7A, s2;
	p2 =	seq.s32 @!p0 s5, $0x0  }
0x1f: {  	s9 =	smul.u32 $0xF7A, s1;
	s8 =	simm.s32 @!p0 $0x1BF5;
	p2 =	por !p2, p0  }
0x20: {  	[sflag:s8] =	ssyncset.s32 @!p0 $0xFFFFF086;
	s6 =	sadd.s32 @!p0 s3, s7;
	s7 =	simm.s32 @!p0 $0x108  }
0x21: {  	s3 =	sadd.s32 s3, s9;
	s6 =	sadd.s32 @!p0 $0x88, s6;
	s7 =	simm.s32 @p2 $0x1082  }
0x22: {  	[simem:s7], [sflag:s8] =	dma.local @!p0 [hbm:s6], $0xF7A  }
0x23: {  	s9 =	sor.u32 $0xD0000000, s2;
	s6 =	simm.s32 $0x108;
	_ =	swait.ge @!p0 [sflag:s8], $0x0  }
0x24: {  	s3 =	sadd.s32 $0x88, s3;
	s6 =	simm.s32 @!p1 $0x1082;
	[sflag:s4] =	ssyncset.s32 $0xFFFFF086  }
0x25: {  	[simem:s6], [sflag:s4] =	dma.local [hbm:s3], $0xF7A  }
0x26: {  	[smem:$0x3F9B] =	sst s1;
	(tag) =	ssettag s2;
	_ =	strace s9  }
0x27: {  	s1 =	sld [smem:$0x3FAB]  }
0x28: {  	s2 =	sld [smem:$0x3FAC]  }
0x29: {  	s4 =	sld [smem:$0x3FAE]  }
0x2a: {  	p0 =	seq.s32 s5, $0x0;
	s5 =	sld [smem:$0x3FAF]  }
0x2b: {  	s6 =	sld [smem:$0x3FB0]  }
0x2c: {  	s7 =	sld [smem:$0x3FB1]  }
0x2d: {  	s3 =	simm.s32 $0x108;
	s8 =	sld [smem:$0x3FB2]  }
0x2e: {  	s3 =	simm.s32 @!p0 $0x1082;
	s9 =	sld [smem:$0x3FB3]  }
0x2f: {  	lr =	sadd.s32 s0, s3;
	s0 =	sld [smem:$0x3FAA]  }
0x30: {  	s3 =	sld [smem:$0x3FAD]  }
0x31: {  	[smem:$0x3FB6] =	sst s10  }
0x32: {  	s10 =	sld [smem:$0x3FB4];
	_ =	sdelay $0x3  }
0x33: {  	p0 =	seq.s32 s10, $0x1;
	s10 =	sld [smem:$0x3FB6];
	_ =	sdelay $0x3  }
0x34: {  	[smem:$0x3FB6] =	sst s10  }
0x35: {  	s10 =	sld [smem:$0x3FB5];
	_ =	sdelay $0x3  }
0x36: {  	p1 =	seq.s32 s10, $0x1;
	s10 =	sld [smem:$0x3FB6];
	_ =	sdelay $0x3  }
0x37: {  	[smem:$0x3FB6] =	sst s10  }
0x38: {  	s10 =	sld [smem:$0x3FB7]  }
0x39: {  	_ = 	snop;
	(pc) =	sbr.ind lr, $3  }
0x3a: {  	_ = 	snop  }
0x3b: {  	_ = 	snop  }
0x3c: {  	p2 =	seq.s32 s10, $0x1;
	s10 =	sld [smem:$0x3FB6]  }
0x3d: {  	_ =	shalt  }
0x3e: {  	_ =	shalt  }
0x3f: {  	_ =	shalt  }
0x40: {  	_ =	shalt  }
0x41: {  	_ =	shalt  }
0x42: {  	_ =	shalt  }
0x43: {  	_ =	shalt  }
0x44: {  	_ =	shalt  }
0x45: {  	_ =	shalt  }
0x46: {  	_ =	shalt  }
0x47: {  	_ =	shalt  }
0x48: {  	_ =	shalt  }
0x49: {  	_ =	shalt  }
0x4a: {  	_ =	shalt  }
0x4b: {  	_ =	shalt  }
0x4c: {  	_ =	shalt  }
0x4d: {  	_ =	shalt  }
0x4e: {  	_ =	shalt  }
0x4f: {  	_ =	shalt  }
0x50: {  	_ =	shalt  }
0x51: {  	_ =	shalt  }
0x52: {  	_ =	shalt  }
0x53: {  	_ =	shalt  }
0x54: {  	_ =	shalt  }
0x55: {  	_ =	shalt  }
0x56: {  	_ =	shalt  }
0x57: {  	_ =	shalt  }
0x58: {  	_ =	shalt  }
0x59: {  	_ =	shalt  }
0x5a: {  	_ =	shalt  }
0x5b: {  	_ =	shalt  }
0x5c: {  	_ =	shalt  }
0x5d: {  	_ =	shalt  }
0x5e: {  	_ =	shalt  }
0x5f: {  	_ =	shalt  }
0x60: {  	_ =	shalt  }
0x61: {  	_ =	shalt  }
0x62: {  	_ =	shalt  }
0x63: {  	_ =	shalt  }
0x64: {  	_ =	shalt  }
0x65: {  	_ =	shalt  }
0x66: {  	_ =	shalt  }
0x67: {  	_ =	shalt  }
0x68: {  	_ =	shalt  }
0x69: {  	_ =	shalt  }
0x6a: {  	_ =	shalt  }
0x6b: {  	_ =	shalt  }
0x6c: {  	_ =	shalt  }
0x6d: {  	_ =	shalt  }
0x6e: {  	_ =	shalt  }
0x6f: {  	_ =	shalt  }
0x70: {  	_ =	shalt  }
0x71: {  	_ =	shalt  }
0x72: {  	_ =	shalt  }
0x73: {  	_ =	shalt  }
0x74: {  	_ =	shalt  }
0x75: {  	_ =	shalt  }
0x76: {  	_ =	shalt  }
0x77: {  	_ =	shalt  }
0x78: {  	_ =	shalt  }
0x79: {  	_ =	shalt  }
0x7a: {  	_ =	shalt  }
0x7b: {  	_ =	shalt  }
0x7c: {  	_ =	shalt  }
0x7d: {  	_ =	shalt  }
0x7e: {  	_ =	shalt  }
0x7f: {  	_ =	shalt  }
0x80: {  	_ =	shalt  }
0x81: {  	_ =	shalt  }
0x82: {  	_ =	shalt  }
0x83: {  	_ =	shalt  }
0x84: {  	_ =	shalt  }
0x85: {  	_ =	shalt  }
0x86: {  	_ =	shalt  }
0x87: {  	_ =	shalt  }
.Lfunc_end0:
.L_simem_size_0:
called_computation.2_lowered:
.L_overlay_start_0:
0x88: {  	s2 =	sld [smem:$0x3FD9]  }
0x89: {  	s3 =	sld [smem:$0x3FFE];
	_ =	sdelay $0x1  }
0x8a: {  	s1 =	srdreg.scid  }
0x8b: {  	s0 =	sand.u32 $0x1, s1  }
0x8c: {  	s16 =	sshll.u32 s0, $0xA;
	s2 =	sadd.s32 s3, s2  }
0x8d: {  	s2 =	sadd.s32 s2, s16  }
0x8e: {  	[smem:$0x3FC2] =	sst s2  }
0x8f: {  	_ = 	snop  }
0x90: {  	(tm) =	ssettm $0x1  }
0x91: {  	s17 =	sld [smem:$0x3FFB];
	_ =	sdelay $0x3  }
0x92: {  	_ =	strace s17  }
0x93: {  	s2 =	sld [smem:$0x3FFC];
	_ =	sdelay $0x3  }
0x94: {  	_ =	strace s2  }
0x95: {  	s2 =	sld [smem:$0x3FFD];
	_ =	sdelay $0x3  }
0x96: {  	_ =	strace s2  }
0x97: {  	_ =	strace $0x8FFFFFFF  }
0x98: {  	s18 =	sld [smem:$0x3FDB];
	_ =	sdelay $0x1  }
0x99: {  	s19 =	simm.s32 $_scs_section_size  }
0x9a: {  	s4 =	simm.s32 $_size__tile_overlayer_lowered;
	s5 =	simm.s32 $_tile_overlayer_lowered  }
0x9b: {  	s22 =	simm.s32 $0x1BFF;
	s21 =	sshll.u32 s5, $0x1;
	s2 =	sadd.s32 s19, s18  }
0x9c: {  	s6 =	simm.s32 $0x0;
	s20 =	sshll.u32 s4, $0x1;
	s4 =	sadd.s32 s21, s2  }
0x9d: {  	[timem:s6], [sflag:s22] =	dma.local [hbm:s4], s20  }
0x9e: {  	_ =	swait.ge [sflag:s22], s20  }
0x9f: {  	s3 =	ssub.s32 $0x0, s20;
	[sflag:s22] =	ssyncset.done $0x0  }
0xa0: {  	[sflag:s22] =	ssyncadd.s32 s3;
	_ =	sdelay $0x1  }
0xa1: {  	s23 =	simm.s32 $0x1B8B  }
0xa2: {  	_ =	swait.ge [sflag:s23], $0x1  }
0xa3: {  	[sflag:s23] =	ssyncset.done $0x0  }
0xa4: {  	s25 =	simm.s32 $0x1B8E;
	s24 =	sld [smem:$0x3FFE];
	[sflag:s23] =	ssyncadd.s32 $0xFFFFFFFF  }
0xa5: {  	s26 =	simm.s32 $execute0_lowered;
	[smem:$0x3FD2] =	sst s25  }
0xa6: {  	s4 =	sshll.u32 s26, $0x1;
	_ =	strace $0x8000004C;
	[dreg:$0x1] =	wrdreg $0xFFFFFFFF  }
0xa7: {  	s28 =	simm.s32 $_size_execute0_lowered;
	s2 =	sadd.s32 s2, s4;
	[dreg:$0x0] =	wrdreg $0x0  }
0xa8: {  	s4 =	sshll.u32 s28, $0x1;
	[dreg:$0x2] =	wrdreg s2  }
0xa9: {  	[dreg:$0x3] =	wrdreg s4  }
0xaa: {  	[dreg:$0x4] =	wrdreg $0xC0  }
0xab: {  	_ =	task [dreg:s6], $0x5FFFF  }
0xac: {  	[dreg:$0x1] =	wrdreg $0xFFFFFFFF  }
0xad: {  	[dreg:$0x0] =	wrdreg $0x60  }
0xae: {  	[dreg:$0x2] =	wrdreg s24  }
0xaf: {  	[dreg:$0x3] =	wrdreg $0x0  }
0xb0: {  	[dreg:$0x4] =	wrdreg $0x9  }
0xb1: {  	_ =	task.clear_ibuf [dreg:s6], $0x5FFFF;
	_ =	strace $0x9000004C  }
0xb2: {  	s29 =	simm.s32 $0x9;
	_ =	strace $0x8000004E  }
0xb3: {  	_ =	swait.ge [sflag:s29], $0x1  }
0xb4: {  	[sflag:s29] =	ssyncadd.s32 $0xFFFFFFFF  }
0xb5: {  	_ =	strace $0x9000004E  }
0xb6: {  	_ =	sfence  }
0xb7: {  	s30 =	sld [smem:$0x0];
	_ =	sdelay $0x2  }
0xb8: {  	s31 =	sshll.u32 s1, $0xD;
	s1 =	sshrl.u32 s1, $0x2  }
0xb9: {  	s3 =	sand.u32 $0x4000, s31;
	s1 =	sadd.s32 s1, s30  }
0xba: {  	s0 =	sor.u32 s3, s0;
	s1 =	sshll.u32 s1, $0x11  }
0xbb: {  	s0 =	sor.u32 s1, s0  }
0xbc: {  	s0 =	sadd.s32 $0x8F2B, s0  }
0xbd: {  	[sflag:s0] =	ssyncadd.remote.s32 $0x1  }
0xbe: {  	_ =	sfence.sel $0xFFFF  }
0xbf: {  	[dreg:$0x0] =	wrdreg $0xFFFFFFFF;
	(pc) =	sbr.abs _section_cstart, $3  }
0xc0: {  	[dreg:$0x1] =	wrdreg $0xFFFFFFFF  }
0xc1: {  	_ =	task.clear_ibuf [dreg:s6], $0x2FFFF;
	_ =	strace $0x9FFFFFFF  }
0xc2: {  	(tm) =	ssettm $0x7FFFFFFF  }
0xc3: {  	_ =	shalt  }
tec
execute0_lowered:
.L_overlay_start_1:
0x0: {  	(tag) =	ssettag $0x1  }
0x1: {  	s5 =	rddreg [dreg:$0x0];
	s3 =	srdreg.scid  }
0x2: {  	s1 =	rddreg [dreg:$0x1];
	s6 =	sand.u32 $0x1, s3  }
0x3: {  	s0 =	rddreg [dreg:$0x2];
	s2 =	simm.s32 $0x0;
	s7 =	smul.u32 $0x6800, s6  }
0x4: {  	s17 =	simm.s32 $0x1;
	s3 =	stileid.u32;
	s8 =	smul.u32 $0x28000, s6  }
0x5: {  	[smem:$0x7FF] =	sst s2;
	s4 =	sadd.s32 $0x1D800, s5;
	s10 =	smul.u32 $0x50000, s3  }
0x6: {  	_ =	strace $0x8000004D;
	s9 =	ssub.s32 $0x2, s6;
	s15 =	smul.u32 $0x680, s3  }
0x7: {  	p0 =	seq.s32 s6, $0x0;
	s19 =	smul.u32 $0x2800, s3;
	s20 =	sshll.u32 s3, $0x6  }
0x8: {  	s30 =	sshrl.u32 s9, $0x1;
	s11 =	sadd.s32 s7, s5;
	s12 =	sadd.s32 s8, s5  }
0x9: {  	s13 =	ssub.s32 s9, s30;
	s31 =	sshrl.u32 s10, $0x2;
	s5 =	simm.s32 $0x3C  }
0xa: {  	s6 =	sadd.s32 s31, s1;
	s5 =	simm.s32 @!p0 $0x61;
	s14 =	sadd.s32 $0x3800, s11  }
0xb: {  	s16 =	sadd.s32 $0x10800, s11;
	s18 =	sadd.s32 $0x45800, s12;
	s11 =	smax.u32 s13, $0x1  }
0xc: {  	s12 =	simm.s32 $0x1A800;
	s13 =	simm.s32 $0x2;
	s7 =	sadd.s32 $0x4000, s6  }
0xd: {  	s8 =	sadd.s32 $0x8000, s6;
	s9 =	sadd.s32 $0xC000, s6;
	s10 =	sadd.s32 $0x10000, s6  }
0xe: {  	s14 =	sadd.s32 s15, s14;
	s15 =	sadd.s32 s15, s16;
	s16 =	simm.s32 $0x80  }
0xf: {  	v0 =	vimm.f32 $0.0e+00;
	s18 =	sadd.s32 s19, s18;
	s19 =	sor.u32 $0x1C02, s20;
	s20 =	simm.s32 $0x0  }
.LBB2_1:
0x10: {  	s21 =	simm.s32 $0x0;
	s22 =	simm.s32 $0x200  }
.LBB2_2:
0x11: {  	p0 =	sne.s32 s22, $0xFE00;
	[tilespmem:s21+$0x1A870] =	vst v0  }
0x12: {  	[tilespmem:s21+$0x1A800] =	vst v0  }
0x13: {  	[tilespmem:s21+$0x1A810] =	vst v0  }
.Ltmp0:
0x14: {  	[tilespmem:s21+$0x1A820] =	vst v0;
	(pc) =	sbr.rel @p0 .LBB2_2-.Ltmp0, $4  }
0x15: {  	[tilespmem:s21+$0x1A830] =	vst v0  }
0x16: {  	[tilespmem:s21+$0x1A840] =	vst v0  }
0x17: {  	[tilespmem:s21+$0x1A850] =	vst v0  }
0x18: {  	[tilespmem:s21+$0x1A860] =	vst v0;
	s21 =	sshra.s32 s22, $0x2;
	s22 =	sadd.s32 $0x200, s22  }
0x19: {  	[tilespmem:s21+$0x1A870] =	vst v0  }
0x1a: {  	[tilespmem:s21+$0x1A800] =	vst v0  }
0x1b: {  	[tilespmem:s21+$0x1A810] =	vst v0  }
0x1c: {  	[tilespmem:s21+$0x1A820] =	vst v0  }
0x1d: {  	[tilespmem:s21+$0x1A830] =	vst v0  }
0x1e: {  	[tilespmem:s21+$0x1A840] =	vst v0  }
0x1f: {  	[tilespmem:s21+$0x1A850] =	vst v0  }
0x20: {  	[tilespmem:s21+$0x1A860] =	vst v0  }
0x21: {  	[spmem:s6] =	stream.linear.scatter [tilespmem:s12], [sflag:$0x2], $0x4000, $0x38;
	[tilespmem:$0x1E800] =	vst v63  }
0x22: {  	_ =	swait.ge [sflag:s13], $0x4000  }
0x23: {  	[sflag:s13] =	ssyncset.done $0x0  }
0x24: {  	[sflag:s13] =	ssyncadd.s32 $0xFFFFC000  }
0x25: {  	[spmem:s7] =	stream.linear.scatter [tilespmem:s12], [sflag:$0x2], $0x4000, $0x38;
	[tilespmem:$0x1E800] =	vst v63  }
0x26: {  	_ =	swait.ge [sflag:s13], $0x4000  }
0x27: {  	[sflag:s13] =	ssyncset.done $0x0  }
0x28: {  	[sflag:s13] =	ssyncadd.s32 $0xFFFFC000  }
0x29: {  	[spmem:s8] =	stream.linear.scatter [tilespmem:s12], [sflag:$0x2], $0x4000, $0x38;
	[tilespmem:$0x1E800] =	vst v63  }
0x2a: {  	_ =	swait.ge [sflag:s13], $0x4000  }
0x2b: {  	[sflag:s13] =	ssyncset.done $0x0  }
0x2c: {  	[sflag:s13] =	ssyncadd.s32 $0xFFFFC000  }
0x2d: {  	[spmem:s9] =	stream.linear.scatter [tilespmem:s12], [sflag:$0x2], $0x4000, $0x38;
	[tilespmem:$0x1E800] =	vst v63  }
0x2e: {  	_ =	swait.ge [sflag:s13], $0x4000  }
0x2f: {  	[sflag:s13] =	ssyncset.done $0x0  }
0x30: {  	[sflag:s13] =	ssyncadd.s32 $0xFFFFC000  }
0x31: {  	[spmem:s10] =	stream.linear.scatter [tilespmem:s12], [sflag:$0x2], $0x4000, $0x38;
	[tilespmem:$0x1E800] =	vst v63  }
0x32: {  	_ =	swait.ge [sflag:s13], $0x4000  }
0x33: {  	[sflag:s13] =	ssyncset.done $0x0  }
0x34: {  	s21 =	simm.s32 $0x14000;
	[sflag:s13] =	ssyncadd.s32 $0xFFFFC000  }
0x35: {  	[tilespmem:s21], [sflag:$0x2] =	stream.linear.gather [hbm4b:s14+s2], $0x3080, $0x38;
	[tilespmem:$0x1E800] =	vst v63  }
0x36: {  	_ =	swait.ge [sflag:s13], $0x3080  }
0x37: {  	[sflag:s13] =	ssyncset.done $0x0  }
0x38: {  	s22 =	simm.s32 $0x17400;
	[sflag:s13] =	ssyncadd.s32 $0xFFFFCF80  }
0x39: {  	[tilespmem:s22], [sflag:$0x2] =	stream.linear.gather [hbm4b:s15+s2], $0x3080, $0x38;
	[tilespmem:$0x1E800] =	vst v63  }
0x3a: {  	_ =	swait.ge [sflag:s13], $0x3080  }
0x3b: {  	[sflag:s13] =	ssyncset.done $0x0  }
0x3c: {  	[sflag:s13] =	ssyncadd.s32 $0xFFFFCF80  }
0x3d: {  	[bflag:$0x0] =	sbarrier.arrive $0xFFFF  }
0x3e: {  	[tilespmem:s12], [sflag:$0x1] =	stream.indirect.gather [hbm4b:s4+s16], $0x80, s21, s16, $0xb8;
	[tilespmem:$0x1E800] =	vst v63  }
0x3f: {  	p0 =	sne.s32 s5, $0x1;
	_ =	swait.ge [sflag:s17], $0x4000  }
.Ltmp1:
0x40: {  	[sflag:s17] =	ssyncset.done $0x0;
	(pc) =	sbr.rel @!p0 .LBB2_5-.Ltmp1, $4  }
0x41: {  	[sflag:s17] =	ssyncadd.s32 $0xFFFFC000  }
0x42: {  	[spmem:s1] =	stream.indirect.scatter.add.f32 [tilespmem:s12], [sflag:$0x2], $0x80, s22, s16, $0xb8;
	[tilespmem:$0x1E800] =	vst v63  }
0x43: {  	_ =	swait.ge [sflag:s13], $0x4000  }
0x44: {  	s23 =	sadd.s32 $0xFFFFFFFF, s5;
	[sflag:s13] =	ssyncset.done $0x0  }
.LBB2_4:
0x45: {  	[sflag:s13] =	ssyncadd.s32 $0xFFFFC000;
	s21 =	sadd.s32 $0x80, s21;
	s22 =	sadd.s32 $0x80, s22  }
0x46: {  	[tilespmem:s12], [sflag:$0x1] =	stream.indirect.gather [hbm4b:s4+s16], $0x80, s21, s16, $0xb8;
	[tilespmem:$0x1E800] =	vst v63  }
0x47: {  	p0 =	sne.s32 s23, $0x1;
	s23 =	sadd.s32 $0xFFFFFFFF, s23;
	_ =	swait.ge [sflag:s17], $0x4000  }
.Ltmp2:
0x48: {  	[sflag:s17] =	ssyncset.done $0x0;
	(pc) =	sbr.rel @p0 .LBB2_4-.Ltmp2, $4  }
0x49: {  	[sflag:s17] =	ssyncadd.s32 $0xFFFFC000  }
0x4a: {  	[spmem:s1] =	stream.indirect.scatter.add.f32 [tilespmem:s12], [sflag:$0x2], $0x80, s22, s16, $0xb8;
	[tilespmem:$0x1E800] =	vst v63  }
0x4b: {  	_ =	swait.ge [sflag:s13], $0x4000  }
0x4c: {  	[sflag:s13] =	ssyncset.done $0x0  }
.LBB2_5:
0x4d: {  	s20 =	sadd.s32 $0x1, s20  }
0x4e: {  	[sflag:s13] =	ssyncadd.s32 $0xFFFFC000;
	p0 =	sne.s32 s20, s11  }
.Ltmp3:
0x4f: {  	s21 =	sshrl.u32 s6, $0x3;
	[bflag:$0x0] =	sbarrier.arrive $0xFFFF;
	(pc) =	sbr.rel @p0 .LBB2_1-.Ltmp3, $4  }
0x50: {  	[hbm:s18], [sflag:s19] =	dma.local [spmem:s21], $0x2800  }
0x51: {  	_ =	swait.ge [sflag:s13], $0x2800  }
0x52: {  	[sflag:s13] =	ssyncset.done $0x0  }
0x53: {  	[sflag:s13] =	ssyncadd.s32 $0xFFFFD800  }
0x54: {  	_ =	sfence.sel $0x180000  }
0x55: {  	[bflag:$0x0] =	sbarrier.arrive $0xFFFF  }
0x56: {  	p0 =	sne.s32 s3, $0x0;
	_ =	strace $0x9000004D  }
0x57: {  	s0 =	sadd.s32 @!p0 $0x100000, s0;
	[bflag:$0x2] =	sbarrier.arrive $0xFFFF  }
0x58: {  	[sflag:s0] =	ssyncadd.tile.s32 @!p0 $0x1;
	_ =	shalt  }
.Lfunc_end2:
_tile_overlayer_lowered:
.L_overlay_start_2:
0x59: {  	(tag) =	ssettag $0x2  }
0x5a: {  	s0 =	rddreg [dreg:$0x0];
	s2 =	stileid.u32  }
0x5b: {  	s1 =	rddreg [dreg:$0x1];
	p0 =	sne.s32 s2, $0x0  }
0x5c: {  	s3 =	rddreg [dreg:$0x2];
	[bflag:$0x3] =	sbarrier.arrive $0xFFFF;
	s2 =	simm.s32 @!p0 $0x1C02  }
0x5d: {  	[timem:s3], [sflag:s2] =	dma.local @!p0 [hbm:s0], s1  }
0x5e: {  	s0 =	simm.s32 @!p0 $0x2  }
0x5f: {  	_ =	swait.ge @!p0 [sflag:s0], s1  }
0x60: {  	s1 =	ssub.s32 @!p0 $0x0, s1;
	[sflag:s0] =	ssyncset.done @!p0 $0x0  }
0x61: {  	[sflag:s0] =	ssyncadd.s32 @!p0 s1  }
0x62: {  	[bflag:$0x3] =	sbarrier.arrive $0xFFFF  }
0x63: {  	_ =	shalt  }

// kernel: kernel.8.cloned.1.call-start
scs
__scs_entry_jumppad:
0x0: {  	(pc) =	sbr.rel $0x88, $3  }
0x1: {  	(tag) =	ssettag $0x0;
	lr =	simm.s32 $0x1  }
0x2: {  	[smem:$0x3F9B] =	sst lr;
	_ =	strace $0xD0000000  }
0x3: {  	_ = 	snop  }
0x4: {  	_ = 	snop  }
0x5: {  	_ = 	snop  }
0x6: {  	_ = 	snop  }
0x7: {  	_ = 	snop  }
__scs_overlays_trampoline_lowered:
0x8: {  	[smem:$0x3FAA] =	sst s0  }
0x9: {  	[smem:$0x3FAB] =	sst s1  }
0xa: {  	[smem:$0x3FAC] =	sst s2  }
0xb: {  	[smem:$0x3FAD] =	sst s3  }
0xc: {  	[smem:$0x3FAE] =	sst s4  }
0xd: {  	[smem:$0x3FAF] =	sst s5  }
0xe: {  	[smem:$0x3FB0] =	sst s6  }
0xf: {  	[smem:$0x3FB1] =	sst s7  }
0x10: {  	[smem:$0x3FB2] =	sst s8  }
0x11: {  	[smem:$0x3FB3] =	sst s9;
	s0 =	simm.s32 @!p0 $0x0  }
0x12: {  	s1 =	sld [smem:$0x3F99];
	s0 =	simm.s32 @p0 $0x1  }
0x13: {  	[smem:$0x3FB4] =	sst s0;
	s0 =	simm.s32 @!p1 $0x0  }
0x14: {  	s2 =	sld [smem:$0x3F98];
	s0 =	simm.s32 @p1 $0x1  }
0x15: {  	[smem:$0x3FB5] =	sst s0;
	s0 =	simm.s32 @!p2 $0x0  }
0x16: {  	s3 =	sld [smem:$0x3FDB];
	s0 =	simm.s32 @p2 $0x1  }
0x17: {  	s4 =	simm.s32 $0x1BF5;
	[smem:$0x3FB7] =	sst s0  }
0x18: {  	s0 =	sld [smem:$0x3F9A];
	_ =	swait.ge [sflag:s4], $0x0  }
0x19: {  	s7 =	sld [smem:$0x3F9B]  }
0x1a: {  	s8 =	sadd.s32 $0xFFFFE003, lr  }
0x1b: {  	s9 =	sadd.s32 $0xFFFFFEF7, lr;
	s5 =	simm.s32 $0xFFFFFFFF;
	p2 =	slt.u32 s8, $0xFFFFF086  }
0x1c: {  	p1 =	slt.u32 s9, $0xF7A;
	s5 =	simm.s32 @!p2 $0x0  }
0x1d: {  	s5 =	simm.s32 @p1 $0x1;
	p0 =	seq.s32 s7, s2  }
0x1e: {  	s7 =	smul.u32 @!p0 $0xF7A, s2;
	p2 =	seq.s32 @!p0 s5, $0x0  }
0x1f: {  	s9 =	smul.u32 $0xF7A, s1;
	s8 =	simm.s32 @!p0 $0x1BF5;
	p2 =	por !p2, p0  }
0x20: {  	[sflag:s8] =	ssyncset.s32 @!p0 $0xFFFFF086;
	s6 =	sadd.s32 @!p0 s3, s7;
	s7 =	simm.s32 @!p0 $0x108  }
0x21: {  	s3 =	sadd.s32 s3, s9;
	s6 =	sadd.s32 @!p0 $0x88, s6;
	s7 =	simm.s32 @p2 $0x1082  }
0x22: {  	[simem:s7], [sflag:s8] =	dma.local @!p0 [hbm:s6], $0xF7A  }
0x23: {  	s9 =	sor.u32 $0xD0000000, s2;
	s6 =	simm.s32 $0x108;
	_ =	swait.ge @!p0 [sflag:s8], $0x0  }
0x24: {  	s3 =	sadd.s32 $0x88, s3;
	s6 =	simm.s32 @!p1 $0x1082;
	[sflag:s4] =	ssyncset.s32 $0xFFFFF086  }
0x25: {  	[simem:s6], [sflag:s4] =	dma.local [hbm:s3], $0xF7A  }
0x26: {  	[smem:$0x3F9B] =	sst s1;
	(tag) =	ssettag s2;
	_ =	strace s9  }
0x27: {  	s1 =	sld [smem:$0x3FAB]  }
0x28: {  	s2 =	sld [smem:$0x3FAC]  }
0x29: {  	s4 =	sld [smem:$0x3FAE]  }
0x2a: {  	p0 =	seq.s32 s5, $0x0;
	s5 =	sld [smem:$0x3FAF]  }
0x2b: {  	s6 =	sld [smem:$0x3FB0]  }
0x2c: {  	s7 =	sld [smem:$0x3FB1]  }
0x2d: {  	s3 =	simm.s32 $0x108;
	s8 =	sld [smem:$0x3FB2]  }
0x2e: {  	s3 =	simm.s32 @!p0 $0x1082;
	s9 =	sld [smem:$0x3FB3]  }
0x2f: {  	lr =	sadd.s32 s0, s3;
	s0 =	sld [smem:$0x3FAA]  }
0x30: {  	s3 =	sld [smem:$0x3FAD]  }
0x31: {  	[smem:$0x3FB6] =	sst s10  }
0x32: {  	s10 =	sld [smem:$0x3FB4];
	_ =	sdelay $0x3  }
0x33: {  	p0 =	seq.s32 s10, $0x1;
	s10 =	sld [smem:$0x3FB6];
	_ =	sdelay $0x3  }
0x34: {  	[smem:$0x3FB6] =	sst s10  }
0x35: {  	s10 =	sld [smem:$0x3FB5];
	_ =	sdelay $0x3  }
0x36: {  	p1 =	seq.s32 s10, $0x1;
	s10 =	sld [smem:$0x3FB6];
	_ =	sdelay $0x3  }
0x37: {  	[smem:$0x3FB6] =	sst s10  }
0x38: {  	s10 =	sld [smem:$0x3FB7]  }
0x39: {  	_ = 	snop;
	(pc) =	sbr.ind lr, $3  }
0x3a: {  	_ = 	snop  }
0x3b: {  	_ = 	snop  }
0x3c: {  	p2 =	seq.s32 s10, $0x1;
	s10 =	sld [smem:$0x3FB6]  }
0x3d: {  	_ =	shalt  }
0x3e: {  	_ =	shalt  }
0x3f: {  	_ =	shalt  }
0x40: {  	_ =	shalt  }
0x41: {  	_ =	shalt  }
0x42: {  	_ =	shalt  }
0x43: {  	_ =	shalt  }
0x44: {  	_ =	shalt  }
0x45: {  	_ =	shalt  }
0x46: {  	_ =	shalt  }
0x47: {  	_ =	shalt  }
0x48: {  	_ =	shalt  }
0x49: {  	_ =	shalt  }
0x4a: {  	_ =	shalt  }
0x4b: {  	_ =	shalt  }
0x4c: {  	_ =	shalt  }
0x4d: {  	_ =	shalt  }
0x4e: {  	_ =	shalt  }
0x4f: {  	_ =	shalt  }
0x50: {  	_ =	shalt  }
0x51: {  	_ =	shalt  }
0x52: {  	_ =	shalt  }
0x53: {  	_ =	shalt  }
0x54: {  	_ =	shalt  }
0x55: {  	_ =	shalt  }
0x56: {  	_ =	shalt  }
0x57: {  	_ =	shalt  }
0x58: {  	_ =	shalt  }
0x59: {  	_ =	shalt  }
0x5a: {  	_ =	shalt  }
0x5b: {  	_ =	shalt  }
0x5c: {  	_ =	shalt  }
0x5d: {  	_ =	shalt  }
0x5e: {  	_ =	shalt  }
0x5f: {  	_ =	shalt  }
0x60: {  	_ =	shalt  }
0x61: {  	_ =	shalt  }
0x62: {  	_ =	shalt  }
0x63: {  	_ =	shalt  }
0x64: {  	_ =	shalt  }
0x65: {  	_ =	shalt  }
0x66: {  	_ =	shalt  }
0x67: {  	_ =	shalt  }
0x68: {  	_ =	shalt  }
0x69: {  	_ =	shalt  }
0x6a: {  	_ =	shalt  }
0x6b: {  	_ =	shalt  }
0x6c: {  	_ =	shalt  }
0x6d: {  	_ =	shalt  }
0x6e: {  	_ =	shalt  }
0x6f: {  	_ =	shalt  }
0x70: {  	_ =	shalt  }
0x71: {  	_ =	shalt  }
0x72: {  	_ =	shalt  }
0x73: {  	_ =	shalt  }
0x74: {  	_ =	shalt  }
0x75: {  	_ =	shalt  }
0x76: {  	_ =	shalt  }
0x77: {  	_ =	shalt  }
0x78: {  	_ =	shalt  }
0x79: {  	_ =	shalt  }
0x7a: {  	_ =	shalt  }
0x7b: {  	_ =	shalt  }
0x7c: {  	_ =	shalt  }
0x7d: {  	_ =	shalt  }
0x7e: {  	_ =	shalt  }
0x7f: {  	_ =	shalt  }
0x80: {  	_ =	shalt  }
0x81: {  	_ =	shalt  }
0x82: {  	_ =	shalt  }
0x83: {  	_ =	shalt  }
0x84: {  	_ =	shalt  }
0x85: {  	_ =	shalt  }
0x86: {  	_ =	shalt  }
0x87: {  	_ =	shalt  }
.Lfunc_end0:
.L_simem_size_0:
called_computation_lowered:
.L_overlay_start_0:
0x88: {  	s2 =	sld [smem:$0x3FD9]  }
0x89: {  	s3 =	sld [smem:$0x3FFE];
	_ =	sdelay $0x1  }
0x8a: {  	s1 =	srdreg.scid  }
0x8b: {  	s0 =	sand.u32 $0x1, s1  }
0x8c: {  	s16 =	sshll.u32 s0, $0xA;
	s2 =	sadd.s32 s3, s2  }
0x8d: {  	s2 =	sadd.s32 s2, s16  }
0x8e: {  	[smem:$0x3FC2] =	sst s2  }
0x8f: {  	_ = 	snop  }
0x90: {  	(tm) =	ssettm $0x1  }
0x91: {  	s17 =	sld [smem:$0x3FFB];
	_ =	sdelay $0x3  }
0x92: {  	_ =	strace s17  }
0x93: {  	s2 =	sld [smem:$0x3FFC];
	_ =	sdelay $0x3  }
0x94: {  	_ =	strace s2  }
0x95: {  	s2 =	sld [smem:$0x3FFD];
	_ =	sdelay $0x3  }
0x96: {  	_ =	strace s2  }
0x97: {  	_ =	strace $0x8FFFFFFF  }
0x98: {  	s18 =	sld [smem:$0x3FDB];
	_ =	sdelay $0x1  }
0x99: {  	s19 =	simm.s32 $_scs_section_size  }
0x9a: {  	s4 =	simm.s32 $_size__tile_overlayer_lowered;
	s5 =	simm.s32 $_tile_overlayer_lowered  }
0x9b: {  	s22 =	simm.s32 $0x1BFF;
	s21 =	sshll.u32 s5, $0x1;
	s2 =	sadd.s32 s19, s18  }
0x9c: {  	s6 =	simm.s32 $0x0;
	s20 =	sshll.u32 s4, $0x1;
	s4 =	sadd.s32 s21, s2  }
0x9d: {  	[timem:s6], [sflag:s22] =	dma.local [hbm:s4], s20  }
0x9e: {  	_ =	swait.ge [sflag:s22], s20  }
0x9f: {  	s3 =	ssub.s32 $0x0, s20;
	[sflag:s22] =	ssyncset.done $0x0  }
0xa0: {  	[sflag:s22] =	ssyncadd.s32 s3;
	_ =	sdelay $0x1  }
0xa1: {  	s23 =	simm.s32 $0x1B8B  }
0xa2: {  	_ =	swait.ge [sflag:s23], $0x1  }
0xa3: {  	[sflag:s23] =	ssyncset.done $0x0  }
0xa4: {  	s25 =	simm.s32 $0x1B8E;
	s24 =	sld [smem:$0x3FFE];
	[sflag:s23] =	ssyncadd.s32 $0xFFFFFFFF  }
0xa5: {  	s26 =	simm.s32 $execute0_lowered;
	[smem:$0x3FD2] =	sst s25  }
0xa6: {  	s4 =	sshll.u32 s26, $0x1;
	_ =	strace $0x80000046;
	[dreg:$0x1] =	wrdreg $0xFFFFFFFF  }
0xa7: {  	s28 =	simm.s32 $_size_execute0_lowered;
	s2 =	sadd.s32 s2, s4;
	[dreg:$0x0] =	wrdreg $0x0  }
0xa8: {  	s4 =	sshll.u32 s28, $0x1;
	[dreg:$0x2] =	wrdreg s2  }
0xa9: {  	[dreg:$0x3] =	wrdreg s4  }
0xaa: {  	[dreg:$0x4] =	wrdreg $0xC0  }
0xab: {  	_ =	task [dreg:s6], $0x5FFFF  }
0xac: {  	[dreg:$0x1] =	wrdreg $0xFFFFFFFF  }
0xad: {  	[dreg:$0x0] =	wrdreg $0x60  }
0xae: {  	[dreg:$0x2] =	wrdreg s24  }
0xaf: {  	[dreg:$0x3] =	wrdreg $0x0  }
0xb0: {  	[dreg:$0x4] =	wrdreg $0x9  }
0xb1: {  	_ =	task.clear_ibuf [dreg:s6], $0x5FFFF;
	_ =	strace $0x90000046  }
0xb2: {  	s29 =	simm.s32 $0x9;
	_ =	strace $0x80000048  }
0xb3: {  	_ =	swait.ge [sflag:s29], $0x1  }
0xb4: {  	[sflag:s29] =	ssyncadd.s32 $0xFFFFFFFF  }
0xb5: {  	_ =	strace $0x90000048  }
0xb6: {  	_ =	sfence  }
0xb7: {  	s30 =	sld [smem:$0x0];
	_ =	sdelay $0x2  }
0xb8: {  	s31 =	sshll.u32 s1, $0xD;
	s1 =	sshrl.u32 s1, $0x2  }
0xb9: {  	s3 =	sand.u32 $0x4000, s31;
	s1 =	sadd.s32 s1, s30  }
0xba: {  	s0 =	sor.u32 s3, s0;
	s1 =	sshll.u32 s1, $0x11  }
0xbb: {  	s0 =	sor.u32 s1, s0  }
0xbc: {  	s0 =	sadd.s32 $0x8F2B, s0  }
0xbd: {  	[sflag:s0] =	ssyncadd.remote.s32 $0x1  }
0xbe: {  	_ =	sfence.sel $0xFFFF  }
0xbf: {  	[dreg:$0x0] =	wrdreg $0xFFFFFFFF;
	(pc) =	sbr.abs _section_cstart, $3  }
0xc0: {  	[dreg:$0x1] =	wrdreg $0xFFFFFFFF  }
0xc1: {  	_ =	task.clear_ibuf [dreg:s6], $0x2FFFF;
	_ =	strace $0x9FFFFFFF  }
0xc2: {  	(tm) =	ssettm $0x7FFFFFFF  }
0xc3: {  	_ =	shalt  }
tec
execute0_lowered:
.L_overlay_start_1:
0x0: {  	(tag) =	ssettag $0x1  }
0x1: {  	s4 =	rddreg [dreg:$0x0]  }
0x2: {  	s1 =	rddreg [dreg:$0x1];
	s3 =	srdreg.scid  }
0x3: {  	s0 =	rddreg [dreg:$0x2];
	s2 =	simm.s32 $0x0;
	s11 =	simm.s32 $0x3680  }
0x4: {  	s15 =	simm.s32 $0x20;
	s16 =	simm.s32 $0x10;
	s5 =	sand.u32 $0x1, s3  }
0x5: {  	s17 =	simm.s32 $0x0;
	[smem:$0x7FF] =	sst s2;
	s3 =	smul.u32 $0x6800, s5  }
0x6: {  	_ =	strace $0x80000047;
	s7 =	sshll.u32 s5, $0x4;
	s8 =	ssub.s32 $0x2, s5  }
0x7: {  	p0 =	seq.s32 s5, $0x0;
	s7 =	sadd.s32 s7, s4;
	s10 =	sshrl.u32 s8, $0x1  }
0x8: {  	s6 =	sadd.s32 s3, s4;
	s3 =	stileid.u32;
	s4 =	simm.s32 $0x3C  }
0x9: {  	s8 =	ssub.s32 s8, s10;
	s12 =	sadd.s32 $0x1D800, s7;
	s9 =	smul.u32 $0xA00, s3  }
0xa: {  	s7 =	simm.s32 $0x3700;
	s10 =	simm.s32 $0x80;
	s31 =	smul.u32 $0x680, s3  }
0xb: {  	s4 =	simm.s32 @!p0 $0x61;
	s30 =	sadd.s32 $0x10800, s6;
	s13 =	smul.u32 $0xA0, s3  }
0xc: {  	s6 =	smax.u32 s8, $0x1;
	s8 =	simm.s32 $0x1;
	s29 =	sshrl.u32 s9, $0x2  }
0xd: {  	s14 =	sshll.u32 s3, $0x6;
	s9 =	sadd.s32 s31, s30;
	s5 =	sadd.s32 s29, s1  }
0xe: {  	v0 =	vimm.f32 $1.000000000e+00;
	v1 =	vimm.f32 $0.0e+00;
	s12 =	sadd.s32 s13, s12;
	s13 =	sor.u32 $0x1C01, s14;
	s14 =	sshrl.u32 s5, $0x3  }
.LBB2_1:
0xf: {  	[tilespmem:$0x3680] =	vst v0  }
0x10: {  	[tilespmem:$0x3690] =	vst v0  }
0x11: {  	[tilespmem:$0x36A0] =	vst v0  }
0x12: {  	[tilespmem:$0x36B0] =	vst v0  }
0x13: {  	[tilespmem:$0x36C0] =	vst v0  }
0x14: {  	[tilespmem:$0x36D0] =	vst v0  }
0x15: {  	[tilespmem:$0x36E0] =	vst v0  }
0x16: {  	[tilespmem:$0x36F0] =	vst v0  }
0x17: {  	[tilespmem:$0x3700] =	vst v1  }
0x18: {  	[tilespmem:$0x3710] =	vst v1  }
0x19: {  	[tilespmem:$0x3720] =	vst v1  }
0x1a: {  	[tilespmem:$0x3730] =	vst v1  }
0x1b: {  	[tilespmem:$0x3740] =	vst v1  }
0x1c: {  	[tilespmem:$0x3750] =	vst v1  }
0x1d: {  	[tilespmem:$0x3760] =	vst v1  }
0x1e: {  	[tilespmem:$0x3770] =	vst v1  }
0x1f: {  	[tilespmem:$0x3780] =	vst v1  }
0x20: {  	[tilespmem:$0x3790] =	vst v1  }
0x21: {  	[tilespmem:$0x37A0] =	vst v1  }
0x22: {  	[tilespmem:$0x37B0] =	vst v1  }
0x23: {  	[tilespmem:$0x37C0] =	vst v1  }
0x24: {  	[tilespmem:$0x37D0] =	vst v1  }
0x25: {  	[tilespmem:$0x37E0] =	vst v1  }
0x26: {  	[tilespmem:$0x37F0] =	vst v1  }
0x27: {  	[tilespmem:$0x3800] =	vst v1  }
0x28: {  	[tilespmem:$0x3810] =	vst v1  }
0x29: {  	[tilespmem:$0x3820] =	vst v1  }
0x2a: {  	[tilespmem:$0x3830] =	vst v1  }
0x2b: {  	[tilespmem:$0x3840] =	vst v1  }
0x2c: {  	[tilespmem:$0x3850] =	vst v1  }
0x2d: {  	[tilespmem:$0x3860] =	vst v1  }
0x2e: {  	[tilespmem:$0x3870] =	vst v1  }
0x2f: {  	[tilespmem:$0x3880] =	vst v1  }
0x30: {  	[tilespmem:$0x3890] =	vst v1  }
0x31: {  	[tilespmem:$0x38A0] =	vst v1  }
0x32: {  	[tilespmem:$0x38B0] =	vst v1  }
0x33: {  	[tilespmem:$0x38C0] =	vst v1  }
0x34: {  	[tilespmem:$0x38D0] =	vst v1  }
0x35: {  	[tilespmem:$0x38E0] =	vst v1  }
0x36: {  	[tilespmem:$0x38F0] =	vst v1  }
0x37: {  	[tilespmem:$0x3900] =	vst v1  }
0x38: {  	[tilespmem:$0x3910] =	vst v1  }
0x39: {  	[tilespmem:$0x3920] =	vst v1  }
0x3a: {  	[tilespmem:$0x3930] =	vst v1  }
0x3b: {  	[tilespmem:$0x3940] =	vst v1  }
0x3c: {  	[tilespmem:$0x3950] =	vst v1  }
0x3d: {  	[tilespmem:$0x3960] =	vst v1  }
0x3e: {  	[tilespmem:$0x3970] =	vst v1  }
0x3f: {  	[spmem:s5] =	stream.linear.scatter [tilespmem:s7], [sflag:$0x1], $0x280, $0x38;
	[tilespmem:$0x3980] =	vst v63  }
0x40: {  	_ =	swait.ge [sflag:s8], $0x280  }
0x41: {  	[sflag:s8] =	ssyncset.done $0x0  }
0x42: {  	s18 =	simm.s32 $0x280;
	[sflag:s8] =	ssyncadd.s32 $0xFFFFFD80  }
0x43: {  	[tilespmem:s18], [sflag:$0x1] =	stream.linear.gather [hbm4b:s9+s2], $0x3080, $0x38;
	[tilespmem:$0x3980] =	vst v63  }
0x44: {  	_ =	swait.ge [sflag:s8], $0x3080  }
0x45: {  	p0 =	sne.s32 s4, $0x1;
	[sflag:s8] =	ssyncset.done $0x0  }
.Ltmp0:
0x46: {  	[sflag:s8] =	ssyncadd.s32 $0xFFFFCF80;
	(pc) =	sbr.rel @!p0 .LBB2_3-.Ltmp0, $4  }
0x47: {  	[bflag:$0x0] =	sbarrier.arrive $0xFFFF  }
0x48: {  	[spmem:s1] =	stream.indirect.scatter.add.f32 [tilespmem:s11], [sflag:$0x1], $0x1, s18, s10, $0xb8;
	[tilespmem:$0x3980] =	vst v63  }
0x49: {  	_ =	swait.ge [sflag:s8], $0x80  }
0x4a: {  	s19 =	sadd.s32 $0xFFFFFFFF, s4;
	[sflag:s8] =	ssyncset.done $0x0  }
.LBB2_2:
0x4b: {  	p0 =	sne.s32 s19, $0x1;
	[sflag:s8] =	ssyncadd.s32 $0xFFFFFF80;
	s18 =	sadd.s32 $0x80, s18  }
.Ltmp1:
0x4c: {  	s19 =	sadd.s32 $0xFFFFFFFF, s19;
	(pc) =	sbr.rel @p0 .LBB2_2-.Ltmp1, $4  }
0x4d: {  	_ = 	snop  }
0x4e: {  	[spmem:s1] =	stream.indirect.scatter.add.f32 [tilespmem:s11], [sflag:$0x1], $0x1, s18, s10, $0xb8;
	[tilespmem:$0x3980] =	vst v63  }
0x4f: {  	_ =	swait.ge [sflag:s8], $0x80  }
0x50: {  	[sflag:s8] =	ssyncset.done $0x0  }
.LBB2_3:
0x51: {  	s17 =	sadd.s32 $0x1, s17  }
0x52: {  	[sflag:s8] =	ssyncadd.s32 $0xFFFFFF80;
	p0 =	sne.s32 s17, s6  }
.Ltmp2:
0x53: {  	[bflag:$0x0] =	sbarrier.arrive $0xFFFF;
	(pc) =	sbr.rel @p0 .LBB2_1-.Ltmp2, $4  }
0x54: {  	[hbm:s12@s15], [sflag:s13] =	dma.strided [spmem:s14@s16], $0x50, s8, $0x10   }
0x55: {  	_ =	swait.ge [sflag:s8], $0x50  }
0x56: {  	[sflag:s8] =	ssyncset.done $0x0  }
0x57: {  	[sflag:s8] =	ssyncadd.s32 $0xFFFFFFB0  }
0x58: {  	_ =	sfence.sel $0x180000  }
0x59: {  	[bflag:$0x0] =	sbarrier.arrive $0xFFFF  }
0x5a: {  	p0 =	sne.s32 s3, $0x0;
	_ =	strace $0x90000047  }
0x5b: {  	s0 =	sadd.s32 @!p0 $0x100000, s0;
	[bflag:$0x2] =	sbarrier.arrive $0xFFFF  }
0x5c: {  	[sflag:s0] =	ssyncadd.tile.s32 @!p0 $0x1;
	_ =	shalt  }
.Lfunc_end2:
_tile_overlayer_lowered:
.L_overlay_start_2:
0x5d: {  	(tag) =	ssettag $0x2  }
0x5e: {  	s0 =	rddreg [dreg:$0x0];
	s2 =	stileid.u32  }
0x5f: {  	s1 =	rddreg [dreg:$0x1];
	p0 =	sne.s32 s2, $0x0  }
0x60: {  	s3 =	rddreg [dreg:$0x2];
	[bflag:$0x3] =	sbarrier.arrive $0xFFFF;
	s2 =	simm.s32 @!p0 $0x1C01  }
0x61: {  	[timem:s3], [sflag:s2] =	dma.local @!p0 [hbm:s0], s1  }
0x62: {  	s0 =	simm.s32 @!p0 $0x1  }
0x63: {  	_ =	swait.ge @!p0 [sflag:s0], s1  }
0x64: {  	s1 =	ssub.s32 @!p0 $0x0, s1;
	[sflag:s0] =	ssyncset.done @!p0 $0x0  }
0x65: {  	[sflag:s0] =	ssyncadd.s32 @!p0 s1  }
0x66: {  	[bflag:$0x3] =	sbarrier.arrive $0xFFFF  }
0x67: {  	_ =	shalt  }

</sc_bundles>
